<compile_context>
chip_gen: v7x
topology: tpu7x:2x2x1
jax: 0.10.2.dev20260603
libtpu: 0.0.44.dev20260713+nightly
codegen_flags: <defaults>
</compile_context>

<pallas_src>
import functools

import jax
import jax.numpy as jnp
from jax import lax
from jax.experimental import pallas as pl
from jax.experimental.pallas import tpu as pltpu
from jax.experimental.pallas import tpu_sc as plsc

N_ROWS = 100000
N_FEAT = 128
N_SEG = 64
BLK = 80
SUB = 5
SB_ROWS = BLK * SUB
N_CORES = 2
N_SUBCORES = 16
N_WORKERS = N_CORES * N_SUBCORES
ROWS_SC = 56000
N_SB = ROWS_SC // SB_ROWS
SB_PER_W = -(-N_SB // N_WORKERS)
ROWS_TC = N_ROWS - ROWS_SC
B_TC = 2000
NB_TC = ROWS_TC // B_TC
LANES = 16


def _sc_segment_sum(x, batch32):
    mesh = plsc.VectorSubcoreMesh(core_axis_name="c", subcore_axis_name="s")

    @functools.partial(
        pl.kernel,
        mesh=mesh,
        out_type=[
            jax.ShapeDtypeStruct((N_CORES, N_SEG, N_FEAT), jnp.float32),
            jax.ShapeDtypeStruct((N_CORES, N_SEG), jnp.float32),
        ],
        scratch_types=[
            pltpu.VMEM((SB_ROWS, N_FEAT), jnp.float32),
            pltpu.VMEM((SB_ROWS, N_FEAT), jnp.float32),
        ] + [pltpu.VMEM((BLK,), jnp.int32)] * (2 * SUB) + [
            pltpu.VMEM((BLK,), jnp.float32),
            pltpu.VMEM((N_SEG, N_FEAT), jnp.float32),
            pltpu.VMEM((N_SEG,), jnp.float32),
            pltpu.VMEM_SHARED((N_SEG, N_FEAT), jnp.float32),
            pltpu.VMEM_SHARED((N_SEG,), jnp.float32),
            pltpu.SemaphoreType.DMA,
            pltpu.SemaphoreType.DMA,
            pltpu.SemaphoreType.DMA,
            pltpu.SemaphoreType.DMA,
        ],
    )
    def seg_sum(x_hbm, b_hbm, sums_hbm, cnts_hbm,
                xb0, xb1, *rest):
        ib0 = rest[0:SUB]
        ib1 = rest[SUB:2 * SUB]
        (ones, zrow, zcnt, acc_sh, cnt_sh,
         sl0, sl1, ss0, ss1) = rest[2 * SUB:]
        cid = lax.axis_index("c")
        sid = lax.axis_index("s")
        wid = sid * N_CORES + cid

        one16 = jnp.full((LANES,), 1.0, dtype=jnp.float32)
        for k in range(BLK // LANES):
            ones[pl.ds(k * LANES, LANES)] = one16

        @pl.when(sid == 0)
        def _init():
            z16 = jnp.zeros((LANES,), dtype=jnp.float32)
            for k in range(N_SEG // LANES):
                zcnt[pl.ds(k * LANES, LANES)] = z16

            def zero_row(r, carry):
                for j in range(N_FEAT // LANES):
                    zrow[r, pl.ds(j * LANES, LANES)] = z16
                return carry

            lax.fori_loop(0, N_SEG, zero_row, 0)
            pltpu.sync_copy(zrow, acc_sh)
            pltpu.sync_copy(zcnt, cnt_sh)

        plsc.subcore_barrier()

        def srcs(i):
            sb = wid + i * N_WORKERS
            off = sb * SB_ROWS
            return (x_hbm.at[pl.ds(off, SB_ROWS)],
                    [b_hbm.at[pl.ds(off + j * BLK, BLK)] for j in range(SUB)])

        def load_start(i, xb, ib, sl):
            sb = wid + i * N_WORKERS

            @pl.when(sb < N_SB)
            def _():
                xs, bs = srcs(i)
                pltpu.async_copy(xs, xb, sl)
                for j in range(SUB):
                    pltpu.async_copy(bs[j], ib[j], sl)

        scatter_descs = {}

        def load_wait_and_scatter(i, xb, ib, sl, ss):
            sb = wid + i * N_WORKERS

            @pl.when(sb < N_SB)
            def _():
                xs, bs = srcs(i)
                pltpu.make_async_copy(xs, xb, sl).wait()
                for j in range(SUB):
                    pltpu.make_async_copy(bs[j], ib[j], sl).wait()
                ds = []
                for j in range(SUB):
                    ds.append(pltpu.async_copy(
                        xb.at[pl.ds(j * BLK, BLK)],
                        acc_sh.at[ib[j]], ss, add=True))
                    ds.append(pltpu.async_copy(ones, cnt_sh.at[ib[j]],
                                               ss, add=True))
                scatter_descs[i] = ds

        def scatter_drain(i):
            if i < 0 or i not in scatter_descs:
                return
            sb = wid + i * N_WORKERS

            @pl.when(sb < N_SB)
            def _():
                for d in scatter_descs[i]:
                    d.wait()

        bufs = [(xb0, ib0, sl0, ss0), (xb1, ib1, sl1, ss1)]
        load_start(0, *bufs[0][:3])
        for i in range(SB_PER_W):
            if i + 1 < SB_PER_W:
                scatter_drain(i - 1)
                load_start(i + 1, *bufs[(i + 1) % 2][:3])
            load_wait_and_scatter(i, *bufs[i % 2])
        scatter_drain(SB_PER_W - 2)
        scatter_drain(SB_PER_W - 1)

        plsc.subcore_barrier()

        @pl.when(sid == 0)
        def _emit():
            pltpu.sync_copy(acc_sh, sums_hbm.at[cid])
            pltpu.sync_copy(cnt_sh, cnts_hbm.at[cid])

    return seg_sum(x, batch32)


def _tc_tail_kernel(ids_ref, x_ref, sums_ref, cnts_ref):
    @pl.when(pl.program_id(0) == 0)
    def _init():
        sums_ref[...] = jnp.zeros_like(sums_ref)
        cnts_ref[...] = jnp.zeros_like(cnts_ref)

    ids = ids_ref[0, 0, :]
    onehot = (lax.broadcasted_iota(jnp.int32, (N_SEG, B_TC), 0)
              == ids[None, :]).astype(jnp.float32)
    sums_ref[...] += jnp.dot(onehot, x_ref[...],
                             preferred_element_type=jnp.float32)
    cnts_ref[...] += jnp.sum(onehot, axis=1, keepdims=False)[None, :]


def _tc_tail_segment_sum(x, ids3d):
    return pl.pallas_call(
        _tc_tail_kernel,
        grid=(NB_TC,),
        in_specs=[
            pl.BlockSpec((1, 1, B_TC), lambda i: (i, 0, 0)),
            pl.BlockSpec((B_TC, N_FEAT), lambda i: (i + ROWS_SC // B_TC, 0)),
        ],
        out_specs=[
            pl.BlockSpec((N_SEG, N_FEAT), lambda i: (0, 0)),
            pl.BlockSpec((1, N_SEG), lambda i: (0, 0)),
        ],
        out_shape=[
            jax.ShapeDtypeStruct((N_SEG, N_FEAT), jnp.float32),
            jax.ShapeDtypeStruct((1, N_SEG), jnp.float32),
        ],
    )(ids3d, x)


def _combine_kernel(sums_ref, cnts_ref, tsums_ref, tcnts_ref, out_ref):
    s = sums_ref[0] + sums_ref[1] + tsums_ref[...]
    c = jnp.maximum(cnts_ref[0] + cnts_ref[1] + tcnts_ref[0], 1.0)
    out_ref[...] = s / c[:, None]


def _tc_combine(sums, cnts, tsums, tcnts):
    return pl.pallas_call(
        _combine_kernel,
        out_shape=jax.ShapeDtypeStruct((N_SEG, N_FEAT), jnp.float32),
    )(sums, cnts, tsums, tcnts)


@jax.jit
def kernel(x, batch):
    batch32 = batch.astype(jnp.int32)
    ids3d = batch32[ROWS_SC:].reshape(NB_TC, 1, B_TC)
    sums, cnts = _sc_segment_sum(x, batch32)
    tsums, tcnts = _tc_tail_segment_sum(x, ids3d)
    return _tc_combine(sums, cnts, tsums, tcnts)

# --- scband reference (transcript-rebuilt; emitter-appended) ---
"""Pipeline reference for scband-global-mean-pool-26422638805459 (READ-ONLY COPY).

The authoritative reference and input builder live on the scoring server;
editing this copy changes nothing except your own understanding.
"""

import jax, jax.numpy as jnp
import numpy as np

NUM_SEGMENTS = 64

def setup_inputs(seed: int = 0) -> dict:
    key = jax.random.key(seed)
    k1, k2 = jax.random.split(key)
    x = jax.random.normal(k1, (100000, 128), dtype=jnp.float32)
    batch = jnp.sort(jax.random.randint(k2, (100000,), 0, NUM_SEGMENTS, dtype=jnp.int64))
    return {"x": x, "batch": batch}

def reference(x, batch):
    # global_mean_pool: per-segment mean of node features
    sums = jax.ops.segment_sum(x, batch, num_segments=NUM_SEGMENTS)
    counts = jax.ops.segment_sum(jnp.ones((x.shape[0],), dtype=x.dtype), batch, num_segments=NUM_SEGMENTS)
    counts = jnp.maximum(counts, 1.0)
    return sums / counts[:, None]

if __name__ == "__main__":
    import jax
    _d = setup_inputs()
    print(jax.jit(kernel)(*tuple(_d.values())))

</pallas_src>

<mosaic_0001>
#map = affine_map<(d0, d1) -> (0, 0)>
#map1 = affine_map<(d0, d1) -> (0)>
#map2 = affine_map<(d0, d1) -> (0, 0, 0)>
module attributes {stable_mosaic.version = 14 : i64} {
  func.func @seg_sum(%arg0: i32, %arg1: i32, %arg2: memref<100000x128xf32, #tpu.memory_space<hbm>>, %arg3: memref<100000xi32, #tpu.memory_space<hbm>>, %arg4: memref<2x64x128xf32, #tpu.memory_space<hbm>>, %arg5: memref<2x64xf32, #tpu.memory_space<hbm>>, %arg6: memref<400x128xf32, #tpu.memory_space<vmem>>, %arg7: memref<400x128xf32, #tpu.memory_space<vmem>>, %arg8: memref<80xi32, #tpu.memory_space<vmem>>, %arg9: memref<80xi32, #tpu.memory_space<vmem>>, %arg10: memref<80xi32, #tpu.memory_space<vmem>>, %arg11: memref<80xi32, #tpu.memory_space<vmem>>, %arg12: memref<80xi32, #tpu.memory_space<vmem>>, %arg13: memref<80xi32, #tpu.memory_space<vmem>>, %arg14: memref<80xi32, #tpu.memory_space<vmem>>, %arg15: memref<80xi32, #tpu.memory_space<vmem>>, %arg16: memref<80xi32, #tpu.memory_space<vmem>>, %arg17: memref<80xi32, #tpu.memory_space<vmem>>, %arg18: memref<80xf32, #tpu.memory_space<vmem>>, %arg19: memref<64x128xf32, #tpu.memory_space<vmem>>, %arg20: memref<64xf32, #tpu.memory_space<vmem>>, %arg21: memref<64x128xf32, #tpu.memory_space<vmem_shared>>, %arg22: memref<64xf32, #tpu.memory_space<vmem_shared>>, %arg23: memref<!tpu.dma_semaphore, #tpu.memory_space<semaphore_mem>>, %arg24: memref<!tpu.dma_semaphore, #tpu.memory_space<semaphore_mem>>, %arg25: memref<!tpu.dma_semaphore, #tpu.memory_space<semaphore_mem>>, %arg26: memref<!tpu.dma_semaphore, #tpu.memory_space<semaphore_mem>>) attributes {dimension_semantics = [#tpu.dimension_semantics<core_parallel>, #tpu.dimension_semantics<subcore_parallel>], iteration_bounds = array<i64: 2, 16>, scalar_prefetch = 0 : i64, scratch_operands = 21 : i64, tpu.core_type = #tpu.core_type<sc_vector_subcore>, window_params = [{transform_indices = #map}, {transform_indices = #map1}, {transform_indices = #map2}, {transform_indices = #map}]} {
    %mul3A = arith.constant 2 : i32
    %mul3A_0 = arith.muli %arg1, %mul3A : i32
    %add3A = arith.addi %mul3A_0, %arg0 : i32
    %broadcast_in_dim3A = arith.constant 1.000000e+00 : f32
    %broadcast_in_dim3A_1 = vector.broadcast %broadcast_in_dim3A : f32 to vector<16xf32>
    %swap3A = arith.constant 0 : index
    %swap3A_2 = tpu.vector_load %arg18[%swap3A] {strides = array<i32>} : memref<80xf32, #tpu.memory_space<vmem>>, vector<16xf32>,
    %swap3A_3 = vector.shape_cast %swap3A_2 : vector<16xf32> to vector<16xf32>
    %swap3A_4 = vector.shape_cast %broadcast_in_dim3A_1 : vector<16xf32> to vector<16xf32>
    tpu.vector_store %arg18[%swap3A], %swap3A_4 {strides = array<i32>} : memref<80xf32, #tpu.memory_space<vmem>>, vector<16xf32>,
    %swap3A_5 = arith.constant 16 : index
    %swap3A_6 = tpu.vector_load %arg18[%swap3A_5] {strides = array<i32>} : memref<80xf32, #tpu.memory_space<vmem>>, vector<16xf32>,
    %swap3A_7 = vector.shape_cast %swap3A_6 : vector<16xf32> to vector<16xf32>
    %swap3A_8 = vector.shape_cast %broadcast_in_dim3A_1 : vector<16xf32> to vector<16xf32>
    tpu.vector_store %arg18[%swap3A_5], %swap3A_8 {strides = array<i32>} : memref<80xf32, #tpu.memory_space<vmem>>, vector<16xf32>,
    %swap3A_9 = arith.constant 32 : index
    %swap3A_10 = tpu.vector_load %arg18[%swap3A_9] {strides = array<i32>} : memref<80xf32, #tpu.memory_space<vmem>>, vector<16xf32>,
    %swap3A_11 = vector.shape_cast %swap3A_10 : vector<16xf32> to vector<16xf32>
    %swap3A_12 = vector.shape_cast %broadcast_in_dim3A_1 : vector<16xf32> to vector<16xf32>
    tpu.vector_store %arg18[%swap3A_9], %swap3A_12 {strides = array<i32>} : memref<80xf32, #tpu.memory_space<vmem>>, vector<16xf32>,
    %swap3A_13 = arith.constant 48 : index
    %swap3A_14 = tpu.vector_load %arg18[%swap3A_13] {strides = array<i32>} : memref<80xf32, #tpu.memory_space<vmem>>, vector<16xf32>,
    %swap3A_15 = vector.shape_cast %swap3A_14 : vector<16xf32> to vector<16xf32>
    %swap3A_16 = vector.shape_cast %broadcast_in_dim3A_1 : vector<16xf32> to vector<16xf32>
    tpu.vector_store %arg18[%swap3A_13], %swap3A_16 {strides = array<i32>} : memref<80xf32, #tpu.memory_space<vmem>>, vector<16xf32>,
    %swap3A_17 = arith.constant 64 : index
    %swap3A_18 = tpu.vector_load %arg18[%swap3A_17] {strides = array<i32>} : memref<80xf32, #tpu.memory_space<vmem>>, vector<16xf32>,
    %swap3A_19 = vector.shape_cast %swap3A_18 : vector<16xf32> to vector<16xf32>
    %swap3A_20 = vector.shape_cast %broadcast_in_dim3A_1 : vector<16xf32> to vector<16xf32>
    tpu.vector_store %arg18[%swap3A_17], %swap3A_20 {strides = array<i32>} : memref<80xf32, #tpu.memory_space<vmem>>, vector<16xf32>,
    %eq3A = arith.constant 0 : i32
    %eq3A_21 = arith.cmpi eq, %arg1, %eq3A : i32
    %convert_element_type3A = arith.extui %eq3A_21 : i1 to i32
    %cond3A = arith.constant 0 : i32
    %cond3A_22 = arith.cmpi ne, %convert_element_type3A, %cond3A : i32
    scf.if %cond3A_22 {
      %broadcast_in_dim3A_133 = arith.constant 0.000000e+00 : f32
      %broadcast_in_dim3A_134 = vector.broadcast %broadcast_in_dim3A_133 : f32 to vector<16xf32>
      %swap3A_135 = arith.constant 0 : index
      %swap3A_136 = tpu.vector_load %arg20[%swap3A_135] {strides = array<i32>} : memref<64xf32, #tpu.memory_space<vmem>>, vector<16xf32>,
      %swap3A_137 = vector.shape_cast %swap3A_136 : vector<16xf32> to vector<16xf32>
      %swap3A_138 = vector.shape_cast %broadcast_in_dim3A_134 : vector<16xf32> to vector<16xf32>
      tpu.vector_store %arg20[%swap3A_135], %swap3A_138 {strides = array<i32>} : memref<64xf32, #tpu.memory_space<vmem>>, vector<16xf32>,
      %swap3A_139 = arith.constant 16 : index
      %swap3A_140 = tpu.vector_load %arg20[%swap3A_139] {strides = array<i32>} : memref<64xf32, #tpu.memory_space<vmem>>, vector<16xf32>,
      %swap3A_141 = vector.shape_cast %swap3A_140 : vector<16xf32> to vector<16xf32>
      %swap3A_142 = vector.shape_cast %broadcast_in_dim3A_134 : vector<16xf32> to vector<16xf32>
      tpu.vector_store %arg20[%swap3A_139], %swap3A_142 {strides = array<i32>} : memref<64xf32, #tpu.memory_space<vmem>>, vector<16xf32>,
      %swap3A_143 = arith.constant 32 : index
      %swap3A_144 = tpu.vector_load %arg20[%swap3A_143] {strides = array<i32>} : memref<64xf32, #tpu.memory_space<vmem>>, vector<16xf32>,
      %swap3A_145 = vector.shape_cast %swap3A_144 : vector<16xf32> to vector<16xf32>
      %swap3A_146 = vector.shape_cast %broadcast_in_dim3A_134 : vector<16xf32> to vector<16xf32>
      tpu.vector_store %arg20[%swap3A_143], %swap3A_146 {strides = array<i32>} : memref<64xf32, #tpu.memory_space<vmem>>, vector<16xf32>,
      %swap3A_147 = arith.constant 48 : index
      %swap3A_148 = tpu.vector_load %arg20[%swap3A_147] {strides = array<i32>} : memref<64xf32, #tpu.memory_space<vmem>>, vector<16xf32>,
      %swap3A_149 = vector.shape_cast %swap3A_148 : vector<16xf32> to vector<16xf32>
      %swap3A_150 = vector.shape_cast %broadcast_in_dim3A_134 : vector<16xf32> to vector<16xf32>
      tpu.vector_store %arg20[%swap3A_147], %swap3A_150 {strides = array<i32>} : memref<64xf32, #tpu.memory_space<vmem>>, vector<16xf32>,
      %scan3A = arith.constant 0 : i32
      %scan3A_151 = arith.constant 0 : i32
      %scan3A_152 = arith.constant 64 : i32
      %scan3A_153 = arith.addi %scan3A_151, %scan3A_152 : i32
      %scan3A_154 = arith.constant 1 : i32
      scf.for %scan3A_156 = %scan3A_151 to %scan3A_153 step %scan3A_154  : i32 {
        %swap3A_157 = arith.index_cast %scan3A_156 : i32 to index
        %swap3A_158 = arith.constant 0 : index
        %swap3A_159 = tpu.vector_load %arg19[%swap3A_157, %swap3A_158] {strides = array<i32>} : memref<64x128xf32, #tpu.memory_space<vmem>>, vector<1x16xf32>,
        %swap3A_160 = vector.shape_cast %swap3A_159 : vector<1x16xf32> to vector<16xf32>
        %swap3A_161 = vector.shape_cast %broadcast_in_dim3A_134 : vector<16xf32> to vector<1x16xf32>
        tpu.vector_store %arg19[%swap3A_157, %swap3A_158], %swap3A_161 {strides = array<i32>} : memref<64x128xf32, #tpu.memory_space<vmem>>, vector<1x16xf32>,
        %swap3A_162 = arith.index_cast %scan3A_156 : i32 to index
        %swap3A_163 = arith.constant 16 : index
        %swap3A_164 = tpu.vector_load %arg19[%swap3A_162, %swap3A_163] {strides = array<i32>} : memref<64x128xf32, #tpu.memory_space<vmem>>, vector<1x16xf32>,
        %swap3A_165 = vector.shape_cast %swap3A_164 : vector<1x16xf32> to vector<16xf32>
        %swap3A_166 = vector.shape_cast %broadcast_in_dim3A_134 : vector<16xf32> to vector<1x16xf32>
        tpu.vector_store %arg19[%swap3A_162, %swap3A_163], %swap3A_166 {strides = array<i32>} : memref<64x128xf32, #tpu.memory_space<vmem>>, vector<1x16xf32>,
        %swap3A_167 = arith.index_cast %scan3A_156 : i32 to index
        %swap3A_168 = arith.constant 32 : index
        %swap3A_169 = tpu.vector_load %arg19[%swap3A_167, %swap3A_168] {strides = array<i32>} : memref<64x128xf32, #tpu.memory_space<vmem>>, vector<1x16xf32>,
        %swap3A_170 = vector.shape_cast %swap3A_169 : vector<1x16xf32> to vector<16xf32>
        %swap3A_171 = vector.shape_cast %broadcast_in_dim3A_134 : vector<16xf32> to vector<1x16xf32>
        tpu.vector_store %arg19[%swap3A_167, %swap3A_168], %swap3A_171 {strides = array<i32>} : memref<64x128xf32, #tpu.memory_space<vmem>>, vector<1x16xf32>,
        %swap3A_172 = arith.index_cast %scan3A_156 : i32 to index
        %swap3A_173 = arith.constant 48 : index
        %swap3A_174 = tpu.vector_load %arg19[%swap3A_172, %swap3A_173] {strides = array<i32>} : memref<64x128xf32, #tpu.memory_space<vmem>>, vector<1x16xf32>,
        %swap3A_175 = vector.shape_cast %swap3A_174 : vector<1x16xf32> to vector<16xf32>
        %swap3A_176 = vector.shape_cast %broadcast_in_dim3A_134 : vector<16xf32> to vector<1x16xf32>
        tpu.vector_store %arg19[%swap3A_172, %swap3A_173], %swap3A_176 {strides = array<i32>} : memref<64x128xf32, #tpu.memory_space<vmem>>, vector<1x16xf32>,
        %swap3A_177 = arith.index_cast %scan3A_156 : i32 to index
        %swap3A_178 = arith.constant 64 : index
        %swap3A_179 = tpu.vector_load %arg19[%swap3A_177, %swap3A_178] {strides = array<i32>} : memref<64x128xf32, #tpu.memory_space<vmem>>, vector<1x16xf32>,
        %swap3A_180 = vector.shape_cast %swap3A_179 : vector<1x16xf32> to vector<16xf32>
        %swap3A_181 = vector.shape_cast %broadcast_in_dim3A_134 : vector<16xf32> to vector<1x16xf32>
        tpu.vector_store %arg19[%swap3A_177, %swap3A_178], %swap3A_181 {strides = array<i32>} : memref<64x128xf32, #tpu.memory_space<vmem>>, vector<1x16xf32>,
        %swap3A_182 = arith.index_cast %scan3A_156 : i32 to index
        %swap3A_183 = arith.constant 80 : index
        %swap3A_184 = tpu.vector_load %arg19[%swap3A_182, %swap3A_183] {strides = array<i32>} : memref<64x128xf32, #tpu.memory_space<vmem>>, vector<1x16xf32>,
        %swap3A_185 = vector.shape_cast %swap3A_184 : vector<1x16xf32> to vector<16xf32>
        %swap3A_186 = vector.shape_cast %broadcast_in_dim3A_134 : vector<16xf32> to vector<1x16xf32>
        tpu.vector_store %arg19[%swap3A_182, %swap3A_183], %swap3A_186 {strides = array<i32>} : memref<64x128xf32, #tpu.memory_space<vmem>>, vector<1x16xf32>,
        %swap3A_187 = arith.index_cast %scan3A_156 : i32 to index
        %swap3A_188 = arith.constant 96 : index
        %swap3A_189 = tpu.vector_load %arg19[%swap3A_187, %swap3A_188] {strides = array<i32>} : memref<64x128xf32, #tpu.memory_space<vmem>>, vector<1x16xf32>,
        %swap3A_190 = vector.shape_cast %swap3A_189 : vector<1x16xf32> to vector<16xf32>
        %swap3A_191 = vector.shape_cast %broadcast_in_dim3A_134 : vector<16xf32> to vector<1x16xf32>
        tpu.vector_store %arg19[%swap3A_187, %swap3A_188], %swap3A_191 {strides = array<i32>} : memref<64x128xf32, #tpu.memory_space<vmem>>, vector<1x16xf32>,
        %swap3A_192 = arith.index_cast %scan3A_156 : i32 to index
        %swap3A_193 = arith.constant 112 : index
        %swap3A_194 = tpu.vector_load %arg19[%swap3A_192, %swap3A_193] {strides = array<i32>} : memref<64x128xf32, #tpu.memory_space<vmem>>, vector<1x16xf32>,
        %swap3A_195 = vector.shape_cast %swap3A_194 : vector<1x16xf32> to vector<16xf32>
        %swap3A_196 = vector.shape_cast %broadcast_in_dim3A_134 : vector<16xf32> to vector<1x16xf32>
        tpu.vector_store %arg19[%swap3A_192, %swap3A_193], %swap3A_196 {strides = array<i32>} : memref<64x128xf32, #tpu.memory_space<vmem>>, vector<1x16xf32>,
      }
      %scan3A_155 = arith.constant 64 : i32
      "tpu.region"() ({
        %run_scoped3A = tpu.sem_alloc : memref<!tpu.dma_semaphore, #tpu.memory_space<semaphore_mem>>
        tpu.enqueue_dma source(%arg19 : memref<64x128xf32, #tpu.memory_space<vmem>>) target(%arg21 : memref<64x128xf32, #tpu.memory_space<vmem_shared>>) target_semaphore(%run_scoped3A : memref<!tpu.dma_semaphore, #tpu.memory_space<semaphore_mem>>)
        tpu.wait_dma2 semaphore(%run_scoped3A : memref<!tpu.dma_semaphore, #tpu.memory_space<semaphore_mem>>) src(%arg19 : memref<64x128xf32, #tpu.memory_space<vmem>>) dst(%arg21 : memref<64x128xf32, #tpu.memory_space<vmem_shared>>)
        tpu.yield
      }) : () -> ()
      "tpu.region"() ({
        %run_scoped3A = tpu.sem_alloc : memref<!tpu.dma_semaphore, #tpu.memory_space<semaphore_mem>>
        tpu.enqueue_dma source(%arg20 : memref<64xf32, #tpu.memory_space<vmem>>) target(%arg22 : memref<64xf32, #tpu.memory_space<vmem_shared>>) target_semaphore(%run_scoped3A : memref<!tpu.dma_semaphore, #tpu.memory_space<semaphore_mem>>)
        tpu.wait_dma2 semaphore(%run_scoped3A : memref<!tpu.dma_semaphore, #tpu.memory_space<semaphore_mem>>) src(%arg20 : memref<64xf32, #tpu.memory_space<vmem>>) dst(%arg22 : memref<64xf32, #tpu.memory_space<vmem_shared>>)
        tpu.yield
      }) : () -> ()
    } else {
    }
    %barrier3A = arith.constant 0 : index
    tpu.barrier barrier_id(%barrier3A)
    %add3A_23 = arith.constant 0 : i32
    %add3A_24 = arith.addi %add3A, %add3A_23 : i32
    %lt3A = arith.constant 140 : i32
    %lt3A_25 = arith.cmpi slt, %add3A_24, %lt3A : i32
    %convert_element_type3A_26 = arith.extui %lt3A_25 : i1 to i32
    %cond3A_27 = arith.constant 0 : i32
    %cond3A_28 = arith.cmpi ne, %convert_element_type3A_26, %cond3A_27 : i32
    scf.if %cond3A_28 {
      %add3A_133 = arith.constant 0 : i32
      %add3A_134 = arith.addi %add3A, %add3A_133 : i32
      %mul3A_135 = arith.constant 400 : i32
      %mul3A_136 = arith.muli %add3A_134, %mul3A_135 : i32
      %add3A_137 = arith.constant 0 : i32
      %add3A_138 = arith.addi %mul3A_136, %add3A_137 : i32
      %add3A_139 = arith.constant 80 : i32
      %add3A_140 = arith.addi %mul3A_136, %add3A_139 : i32
      %add3A_141 = arith.constant 160 : i32
      %add3A_142 = arith.addi %mul3A_136, %add3A_141 : i32
      %add3A_143 = arith.constant 240 : i32
      %add3A_144 = arith.addi %mul3A_136, %add3A_143 : i32
      %add3A_145 = arith.constant 320 : i32
      %add3A_146 = arith.addi %mul3A_136, %add3A_145 : i32
      %dma_start3A = arith.constant 0 : i32
      %dma_start3A_147 = tpu.memref_slice %arg2[%mul3A_136, %dma_start3A] : memref<100000x128xf32, #tpu.memory_space<hbm>> -> memref<400x128xf32, #tpu.memory_space<hbm>>
      %dma_start3A_148 = arith.constant 0 : i32
      %dma_start3A_149 = tpu.memref_slice %arg2[%mul3A_136, %dma_start3A_148] : memref<100000x128xf32, #tpu.memory_space<hbm>> -> memref<400x128xf32, #tpu.memory_space<hbm>>
      tpu.enqueue_dma source(%dma_start3A_149 : memref<400x128xf32, #tpu.memory_space<hbm>>) target(%arg6 : memref<400x128xf32, #tpu.memory_space<vmem>>) target_semaphore(%arg23 : memref<!tpu.dma_semaphore, #tpu.memory_space<semaphore_mem>>)
      %dma_start3A_150 = tpu.memref_slice %arg3[%add3A_138] : memref<100000xi32, #tpu.memory_space<hbm>> -> memref<80xi32, #tpu.memory_space<hbm>>
      %dma_start3A_151 = tpu.memref_slice %arg3[%add3A_138] : memref<100000xi32, #tpu.memory_space<hbm>> -> memref<80xi32, #tpu.memory_space<hbm>>
      tpu.enqueue_dma source(%dma_start3A_151 : memref<80xi32, #tpu.memory_space<hbm>>) target(%arg8 : memref<80xi32, #tpu.memory_space<vmem>>) target_semaphore(%arg23 : memref<!tpu.dma_semaphore, #tpu.memory_space<semaphore_mem>>)
      %dma_start3A_152 = tpu.memref_slice %arg3[%add3A_140] : memref<100000xi32, #tpu.memory_space<hbm>> -> memref<80xi32, #tpu.memory_space<hbm>>
      %dma_start3A_153 = tpu.memref_slice %arg3[%add3A_140] : memref<100000xi32, #tpu.memory_space<hbm>> -> memref<80xi32, #tpu.memory_space<hbm>>
      tpu.enqueue_dma source(%dma_start3A_153 : memref<80xi32, #tpu.memory_space<hbm>>) target(%arg9 : memref<80xi32, #tpu.memory_space<vmem>>) target_semaphore(%arg23 : memref<!tpu.dma_semaphore, #tpu.memory_space<semaphore_mem>>)
      %dma_start3A_154 = tpu.memref_slice %arg3[%add3A_142] : memref<100000xi32, #tpu.memory_space<hbm>> -> memref<80xi32, #tpu.memory_space<hbm>>
      %dma_start3A_155 = tpu.memref_slice %arg3[%add3A_142] : memref<100000xi32, #tpu.memory_space<hbm>> -> memref<80xi32, #tpu.memory_space<hbm>>
      tpu.enqueue_dma source(%dma_start3A_155 : memref<80xi32, #tpu.memory_space<hbm>>) target(%arg10 : memref<80xi32, #tpu.memory_space<vmem>>) target_semaphore(%arg23 : memref<!tpu.dma_semaphore, #tpu.memory_space<semaphore_mem>>)
      %dma_start3A_156 = tpu.memref_slice %arg3[%add3A_144] : memref<100000xi32, #tpu.memory_space<hbm>> -> memref<80xi32, #tpu.memory_space<hbm>>
      %dma_start3A_157 = tpu.memref_slice %arg3[%add3A_144] : memref<100000xi32, #tpu.memory_space<hbm>> -> memref<80xi32, #tpu.memory_space<hbm>>
      tpu.enqueue_dma source(%dma_start3A_157 : memref<80xi32, #tpu.memory_space<hbm>>) target(%arg11 : memref<80xi32, #tpu.memory_space<vmem>>) target_semaphore(%arg23 : memref<!tpu.dma_semaphore, #tpu.memory_space<semaphore_mem>>)
      %dma_start3A_158 = tpu.memref_slice %arg3[%add3A_146] : memref<100000xi32, #tpu.memory_space<hbm>> -> memref<80xi32, #tpu.memory_space<hbm>>
      %dma_start3A_159 = tpu.memref_slice %arg3[%add3A_146] : memref<100000xi32, #tpu.memory_space<hbm>> -> memref<80xi32, #tpu.memory_space<hbm>>
      tpu.enqueue_dma source(%dma_start3A_159 : memref<80xi32, #tpu.memory_space<hbm>>) target(%arg12 : memref<80xi32, #tpu.memory_space<vmem>>) target_semaphore(%arg23 : memref<!tpu.dma_semaphore, #tpu.memory_space<semaphore_mem>>)
    } else {
    }
    %add3A_29 = arith.constant 32 : i32
    %add3A_30 = arith.addi %add3A, %add3A_29 : i32
    %lt3A_31 = arith.constant 140 : i32
    %lt3A_32 = arith.cmpi slt, %add3A_30, %lt3A_31 : i32
    %convert_element_type3A_33 = arith.extui %lt3A_32 : i1 to i32
    %cond3A_34 = arith.constant 0 : i32
    %cond3A_35 = arith.cmpi ne, %convert_element_type3A_33, %cond3A_34 : i32
    scf.if %cond3A_35 {
      %add3A_133 = arith.constant 32 : i32
      %add3A_134 = arith.addi %add3A, %add3A_133 : i32
      %mul3A_135 = arith.constant 400 : i32
      %mul3A_136 = arith.muli %add3A_134, %mul3A_135 : i32
      %add3A_137 = arith.constant 0 : i32
      %add3A_138 = arith.addi %mul3A_136, %add3A_137 : i32
      %add3A_139 = arith.constant 80 : i32
      %add3A_140 = arith.addi %mul3A_136, %add3A_139 : i32
      %add3A_141 = arith.constant 160 : i32
      %add3A_142 = arith.addi %mul3A_136, %add3A_141 : i32
      %add3A_143 = arith.constant 240 : i32
      %add3A_144 = arith.addi %mul3A_136, %add3A_143 : i32
      %add3A_145 = arith.constant 320 : i32
      %add3A_146 = arith.addi %mul3A_136, %add3A_145 : i32
      %dma_start3A = arith.constant 0 : i32
      %dma_start3A_147 = tpu.memref_slice %arg2[%mul3A_136, %dma_start3A] : memref<100000x128xf32, #tpu.memory_space<hbm>> -> memref<400x128xf32, #tpu.memory_space<hbm>>
      %dma_start3A_148 = arith.constant 0 : i32
      %dma_start3A_149 = tpu.memref_slice %arg2[%mul3A_136, %dma_start3A_148] : memref<100000x128xf32, #tpu.memory_space<hbm>> -> memref<400x128xf32, #tpu.memory_space<hbm>>
      tpu.enqueue_dma source(%dma_start3A_149 : memref<400x128xf32, #tpu.memory_space<hbm>>) target(%arg7 : memref<400x128xf32, #tpu.memory_space<vmem>>) target_semaphore(%arg24 : memref<!tpu.dma_semaphore, #tpu.memory_space<semaphore_mem>>)
      %dma_start3A_150 = tpu.memref_slice %arg3[%add3A_138] : memref<100000xi32, #tpu.memory_space<hbm>> -> memref<80xi32, #tpu.memory_space<hbm>>
      %dma_start3A_151 = tpu.memref_slice %arg3[%add3A_138] : memref<100000xi32, #tpu.memory_space<hbm>> -> memref<80xi32, #tpu.memory_space<hbm>>
      tpu.enqueue_dma source(%dma_start3A_151 : memref<80xi32, #tpu.memory_space<hbm>>) target(%arg13 : memref<80xi32, #tpu.memory_space<vmem>>) target_semaphore(%arg24 : memref<!tpu.dma_semaphore, #tpu.memory_space<semaphore_mem>>)
      %dma_start3A_152 = tpu.memref_slice %arg3[%add3A_140] : memref<100000xi32, #tpu.memory_space<hbm>> -> memref<80xi32, #tpu.memory_space<hbm>>
      %dma_start3A_153 = tpu.memref_slice %arg3[%add3A_140] : memref<100000xi32, #tpu.memory_space<hbm>> -> memref<80xi32, #tpu.memory_space<hbm>>
      tpu.enqueue_dma source(%dma_start3A_153 : memref<80xi32, #tpu.memory_space<hbm>>) target(%arg14 : memref<80xi32, #tpu.memory_space<vmem>>) target_semaphore(%arg24 : memref<!tpu.dma_semaphore, #tpu.memory_space<semaphore_mem>>)
      %dma_start3A_154 = tpu.memref_slice %arg3[%add3A_142] : memref<100000xi32, #tpu.memory_space<hbm>> -> memref<80xi32, #tpu.memory_space<hbm>>
      %dma_start3A_155 = tpu.memref_slice %arg3[%add3A_142] : memref<100000xi32, #tpu.memory_space<hbm>> -> memref<80xi32, #tpu.memory_space<hbm>>
      tpu.enqueue_dma source(%dma_start3A_155 : memref<80xi32, #tpu.memory_space<hbm>>) target(%arg15 : memref<80xi32, #tpu.memory_space<vmem>>) target_semaphore(%arg24 : memref<!tpu.dma_semaphore, #tpu.memory_space<semaphore_mem>>)
      %dma_start3A_156 = tpu.memref_slice %arg3[%add3A_144] : memref<100000xi32, #tpu.memory_space<hbm>> -> memref<80xi32, #tpu.memory_space<hbm>>
      %dma_start3A_157 = tpu.memref_slice %arg3[%add3A_144] : memref<100000xi32, #tpu.memory_space<hbm>> -> memref<80xi32, #tpu.memory_space<hbm>>
      tpu.enqueue_dma source(%dma_start3A_157 : memref<80xi32, #tpu.memory_space<hbm>>) target(%arg16 : memref<80xi32, #tpu.memory_space<vmem>>) target_semaphore(%arg24 : memref<!tpu.dma_semaphore, #tpu.memory_space<semaphore_mem>>)
      %dma_start3A_158 = tpu.memref_slice %arg3[%add3A_146] : memref<100000xi32, #tpu.memory_space<hbm>> -> memref<80xi32, #tpu.memory_space<hbm>>
      %dma_start3A_159 = tpu.memref_slice %arg3[%add3A_146] : memref<100000xi32, #tpu.memory_space<hbm>> -> memref<80xi32, #tpu.memory_space<hbm>>
      tpu.enqueue_dma source(%dma_start3A_159 : memref<80xi32, #tpu.memory_space<hbm>>) target(%arg17 : memref<80xi32, #tpu.memory_space<vmem>>) target_semaphore(%arg24 : memref<!tpu.dma_semaphore, #tpu.memory_space<semaphore_mem>>)
    } else {
    }
    %add3A_36 = arith.constant 0 : i32
    %add3A_37 = arith.addi %add3A, %add3A_36 : i32
    %lt3A_38 = arith.constant 140 : i32
    %lt3A_39 = arith.cmpi slt, %add3A_37, %lt3A_38 : i32
    %convert_element_type3A_40 = arith.extui %lt3A_39 : i1 to i32
    %cond3A_41 = arith.constant 0 : i32
    %cond3A_42 = arith.cmpi ne, %convert_element_type3A_40, %cond3A_41 : i32
    scf.if %cond3A_42 {
      %add3A_133 = arith.constant 0 : i32
      %add3A_134 = arith.addi %add3A, %add3A_133 : i32
      %mul3A_135 = arith.constant 400 : i32
      %mul3A_136 = arith.muli %add3A_134, %mul3A_135 : i32
      %add3A_137 = arith.constant 0 : i32
      %add3A_138 = arith.addi %mul3A_136, %add3A_137 : i32
      %add3A_139 = arith.constant 80 : i32
      %add3A_140 = arith.addi %mul3A_136, %add3A_139 : i32
      %add3A_141 = arith.constant 160 : i32
      %add3A_142 = arith.addi %mul3A_136, %add3A_141 : i32
      %add3A_143 = arith.constant 240 : i32
      %add3A_144 = arith.addi %mul3A_136, %add3A_143 : i32
      %add3A_145 = arith.constant 320 : i32
      %add3A_146 = arith.addi %mul3A_136, %add3A_145 : i32
      %dma_wait3A = arith.constant 0 : i32
      %dma_wait3A_147 = tpu.memref_slice %arg2[%mul3A_136, %dma_wait3A] : memref<100000x128xf32, #tpu.memory_space<hbm>> -> memref<400x128xf32, #tpu.memory_space<hbm>>
      %dma_wait3A_148 = arith.constant 0 : i32
      %dma_wait3A_149 = tpu.memref_slice %arg2[%mul3A_136, %dma_wait3A_148] : memref<100000x128xf32, #tpu.memory_space<hbm>> -> memref<400x128xf32, #tpu.memory_space<hbm>>
      tpu.wait_dma2 semaphore(%arg23 : memref<!tpu.dma_semaphore, #tpu.memory_space<semaphore_mem>>) src(%dma_wait3A_149 : memref<400x128xf32, #tpu.memory_space<hbm>>) dst(%arg6 : memref<400x128xf32, #tpu.memory_space<vmem>>)
      %dma_wait3A_150 = tpu.memref_slice %arg3[%add3A_138] : memref<100000xi32, #tpu.memory_space<hbm>> -> memref<80xi32, #tpu.memory_space<hbm>>
      %dma_wait3A_151 = tpu.memref_slice %arg3[%add3A_138] : memref<100000xi32, #tpu.memory_space<hbm>> -> memref<80xi32, #tpu.memory_space<hbm>>
      tpu.wait_dma2 semaphore(%arg23 : memref<!tpu.dma_semaphore, #tpu.memory_space<semaphore_mem>>) src(%dma_wait3A_151 : memref<80xi32, #tpu.memory_space<hbm>>) dst(%arg8 : memref<80xi32, #tpu.memory_space<vmem>>)
      %dma_wait3A_152 = tpu.memref_slice %arg3[%add3A_140] : memref<100000xi32, #tpu.memory_space<hbm>> -> memref<80xi32, #tpu.memory_space<hbm>>
      %dma_wait3A_153 = tpu.memref_slice %arg3[%add3A_140] : memref<100000xi32, #tpu.memory_space<hbm>> -> memref<80xi32, #tpu.memory_space<hbm>>
      tpu.wait_dma2 semaphore(%arg23 : memref<!tpu.dma_semaphore, #tpu.memory_space<semaphore_mem>>) src(%dma_wait3A_153 : memref<80xi32, #tpu.memory_space<hbm>>) dst(%arg9 : memref<80xi32, #tpu.memory_space<vmem>>)
      %dma_wait3A_154 = tpu.memref_slice %arg3[%add3A_142] : memref<100000xi32, #tpu.memory_space<hbm>> -> memref<80xi32, #tpu.memory_space<hbm>>
      %dma_wait3A_155 = tpu.memref_slice %arg3[%add3A_142] : memref<100000xi32, #tpu.memory_space<hbm>> -> memref<80xi32, #tpu.memory_space<hbm>>
      tpu.wait_dma2 semaphore(%arg23 : memref<!tpu.dma_semaphore, #tpu.memory_space<semaphore_mem>>) src(%dma_wait3A_155 : memref<80xi32, #tpu.memory_space<hbm>>) dst(%arg10 : memref<80xi32, #tpu.memory_space<vmem>>)
      %dma_wait3A_156 = tpu.memref_slice %arg3[%add3A_144] : memref<100000xi32, #tpu.memory_space<hbm>> -> memref<80xi32, #tpu.memory_space<hbm>>
      %dma_wait3A_157 = tpu.memref_slice %arg3[%add3A_144] : memref<100000xi32, #tpu.memory_space<hbm>> -> memref<80xi32, #tpu.memory_space<hbm>>
      tpu.wait_dma2 semaphore(%arg23 : memref<!tpu.dma_semaphore, #tpu.memory_space<semaphore_mem>>) src(%dma_wait3A_157 : memref<80xi32, #tpu.memory_space<hbm>>) dst(%arg11 : memref<80xi32, #tpu.memory_space<vmem>>)
      %dma_wait3A_158 = tpu.memref_slice %arg3[%add3A_146] : memref<100000xi32, #tpu.memory_space<hbm>> -> memref<80xi32, #tpu.memory_space<hbm>>
      %dma_wait3A_159 = tpu.memref_slice %arg3[%add3A_146] : memref<100000xi32, #tpu.memory_space<hbm>> -> memref<80xi32, #tpu.memory_space<hbm>>
      tpu.wait_dma2 semaphore(%arg23 : memref<!tpu.dma_semaphore, #tpu.memory_space<semaphore_mem>>) src(%dma_wait3A_159 : memref<80xi32, #tpu.memory_space<hbm>>) dst(%arg12 : memref<80xi32, #tpu.memory_space<vmem>>)
      %dma_start3A = arith.constant 0 : i32
      %dma_start3A_160 = arith.constant 0 : i32
      %dma_start3A_161 = tpu.memref_slice %arg6[%dma_start3A, %dma_start3A_160] : memref<400x128xf32, #tpu.memory_space<vmem>> -> memref<80x128xf32, #tpu.memory_space<vmem>>
      %dma_start3A_162 = arith.constant 0 : i32
      %dma_start3A_163 = arith.constant 0 : i32
      %dma_start3A_164 = tpu.memref_slice %arg21[%dma_start3A_162, %dma_start3A_163] : memref<64x128xf32, #tpu.memory_space<vmem_shared>> -> memref<64x128xf32, #tpu.memory_space<vmem_shared>>
      tpu.enqueue_indirect_dma source(%dma_start3A_161 : memref<80x128xf32, #tpu.memory_space<vmem>>) target(%dma_start3A_164 : memref<64x128xf32, #tpu.memory_space<vmem_shared>>) offsets(%arg8 : memref<80xi32, #tpu.memory_space<vmem>>) semaphore(%arg25 : memref<!tpu.dma_semaphore, #tpu.memory_space<semaphore_mem>>) {add = true}
      %dma_start3A_165 = arith.constant 0 : i32
      %dma_start3A_166 = tpu.memref_slice %arg22[%dma_start3A_165] : memref<64xf32, #tpu.memory_space<vmem_shared>> -> memref<64xf32, #tpu.memory_space<vmem_shared>>
      tpu.enqueue_indirect_dma source(%arg18 : memref<80xf32, #tpu.memory_space<vmem>>) target(%dma_start3A_166 : memref<64xf32, #tpu.memory_space<vmem_shared>>) offsets(%arg8 : memref<80xi32, #tpu.memory_space<vmem>>) semaphore(%arg25 : memref<!tpu.dma_semaphore, #tpu.memory_space<semaphore_mem>>) {add = true}
      %dma_start3A_167 = arith.constant 80 : i32
      %dma_start3A_168 = arith.constant 0 : i32
      %dma_start3A_169 = tpu.memref_slice %arg6[%dma_start3A_167, %dma_start3A_168] : memref<400x128xf32, #tpu.memory_space<vmem>> -> memref<80x128xf32, #tpu.memory_space<vmem>>
      %dma_start3A_170 = arith.constant 0 : i32
      %dma_start3A_171 = arith.constant 0 : i32
      %dma_start3A_172 = tpu.memref_slice %arg21[%dma_start3A_170, %dma_start3A_171] : memref<64x128xf32, #tpu.memory_space<vmem_shared>> -> memref<64x128xf32, #tpu.memory_space<vmem_shared>>
      tpu.enqueue_indirect_dma source(%dma_start3A_169 : memref<80x128xf32, #tpu.memory_space<vmem>>) target(%dma_start3A_172 : memref<64x128xf32, #tpu.memory_space<vmem_shared>>) offsets(%arg9 : memref<80xi32, #tpu.memory_space<vmem>>) semaphore(%arg25 : memref<!tpu.dma_semaphore, #tpu.memory_space<semaphore_mem>>) {add = true}
      %dma_start3A_173 = arith.constant 0 : i32
      %dma_start3A_174 = tpu.memref_slice %arg22[%dma_start3A_173] : memref<64xf32, #tpu.memory_space<vmem_shared>> -> memref<64xf32, #tpu.memory_space<vmem_shared>>
      tpu.enqueue_indirect_dma source(%arg18 : memref<80xf32, #tpu.memory_space<vmem>>) target(%dma_start3A_174 : memref<64xf32, #tpu.memory_space<vmem_shared>>) offsets(%arg9 : memref<80xi32, #tpu.memory_space<vmem>>) semaphore(%arg25 : memref<!tpu.dma_semaphore, #tpu.memory_space<semaphore_mem>>) {add = true}
      %dma_start3A_175 = arith.constant 160 : i32
      %dma_start3A_176 = arith.constant 0 : i32
      %dma_start3A_177 = tpu.memref_slice %arg6[%dma_start3A_175, %dma_start3A_176] : memref<400x128xf32, #tpu.memory_space<vmem>> -> memref<80x128xf32, #tpu.memory_space<vmem>>
      %dma_start3A_178 = arith.constant 0 : i32
      %dma_start3A_179 = arith.constant 0 : i32
      %dma_start3A_180 = tpu.memref_slice %arg21[%dma_start3A_178, %dma_start3A_179] : memref<64x128xf32, #tpu.memory_space<vmem_shared>> -> memref<64x128xf32, #tpu.memory_space<vmem_shared>>
      tpu.enqueue_indirect_dma source(%dma_start3A_177 : memref<80x128xf32, #tpu.memory_space<vmem>>) target(%dma_start3A_180 : memref<64x128xf32, #tpu.memory_space<vmem_shared>>) offsets(%arg10 : memref<80xi32, #tpu.memory_space<vmem>>) semaphore(%arg25 : memref<!tpu.dma_semaphore, #tpu.memory_space<semaphore_mem>>) {add = true}
      %dma_start3A_181 = arith.constant 0 : i32
      %dma_start3A_182 = tpu.memref_slice %arg22[%dma_start3A_181] : memref<64xf32, #tpu.memory_space<vmem_shared>> -> memref<64xf32, #tpu.memory_space<vmem_shared>>
      tpu.enqueue_indirect_dma source(%arg18 : memref<80xf32, #tpu.memory_space<vmem>>) target(%dma_start3A_182 : memref<64xf32, #tpu.memory_space<vmem_shared>>) offsets(%arg10 : memref<80xi32, #tpu.memory_space<vmem>>) semaphore(%arg25 : memref<!tpu.dma_semaphore, #tpu.memory_space<semaphore_mem>>) {add = true}
      %dma_start3A_183 = arith.constant 240 : i32
      %dma_start3A_184 = arith.constant 0 : i32
      %dma_start3A_185 = tpu.memref_slice %arg6[%dma_start3A_183, %dma_start3A_184] : memref<400x128xf32, #tpu.memory_space<vmem>> -> memref<80x128xf32, #tpu.memory_space<vmem>>
      %dma_start3A_186 = arith.constant 0 : i32
      %dma_start3A_187 = arith.constant 0 : i32
      %dma_start3A_188 = tpu.memref_slice %arg21[%dma_start3A_186, %dma_start3A_187] : memref<64x128xf32, #tpu.memory_space<vmem_shared>> -> memref<64x128xf32, #tpu.memory_space<vmem_shared>>
      tpu.enqueue_indirect_dma source(%dma_start3A_185 : memref<80x128xf32, #tpu.memory_space<vmem>>) target(%dma_start3A_188 : memref<64x128xf32, #tpu.memory_space<vmem_shared>>) offsets(%arg11 : memref<80xi32, #tpu.memory_space<vmem>>) semaphore(%arg25 : memref<!tpu.dma_semaphore, #tpu.memory_space<semaphore_mem>>) {add = true}
      %dma_start3A_189 = arith.constant 0 : i32
      %dma_start3A_190 = tpu.memref_slice %arg22[%dma_start3A_189] : memref<64xf32, #tpu.memory_space<vmem_shared>> -> memref<64xf32, #tpu.memory_space<vmem_shared>>
      tpu.enqueue_indirect_dma source(%arg18 : memref<80xf32, #tpu.memory_space<vmem>>) target(%dma_start3A_190 : memref<64xf32, #tpu.memory_space<vmem_shared>>) offsets(%arg11 : memref<80xi32, #tpu.memory_space<vmem>>) semaphore(%arg25 : memref<!tpu.dma_semaphore, #tpu.memory_space<semaphore_mem>>) {add = true}
      %dma_start3A_191 = arith.constant 320 : i32
      %dma_start3A_192 = arith.constant 0 : i32
      %dma_start3A_193 = tpu.memref_slice %arg6[%dma_start3A_191, %dma_start3A_192] : memref<400x128xf32, #tpu.memory_space<vmem>> -> memref<80x128xf32, #tpu.memory_space<vmem>>
      %dma_start3A_194 = arith.constant 0 : i32
      %dma_start3A_195 = arith.constant 0 : i32
      %dma_start3A_196 = tpu.memref_slice %arg21[%dma_start3A_194, %dma_start3A_195] : memref<64x128xf32, #tpu.memory_space<vmem_shared>> -> memref<64x128xf32, #tpu.memory_space<vmem_shared>>
      tpu.enqueue_indirect_dma source(%dma_start3A_193 : memref<80x128xf32, #tpu.memory_space<vmem>>) target(%dma_start3A_196 : memref<64x128xf32, #tpu.memory_space<vmem_shared>>) offsets(%arg12 : memref<80xi32, #tpu.memory_space<vmem>>) semaphore(%arg25 : memref<!tpu.dma_semaphore, #tpu.memory_space<semaphore_mem>>) {add = true}
      %dma_start3A_197 = arith.constant 0 : i32
      %dma_start3A_198 = tpu.memref_slice %arg22[%dma_start3A_197] : memref<64xf32, #tpu.memory_space<vmem_shared>> -> memref<64xf32, #tpu.memory_space<vmem_shared>>
      tpu.enqueue_indirect_dma source(%arg18 : memref<80xf32, #tpu.memory_space<vmem>>) target(%dma_start3A_198 : memref<64xf32, #tpu.memory_space<vmem_shared>>) offsets(%arg12 : memref<80xi32, #tpu.memory_space<vmem>>) semaphore(%arg25 : memref<!tpu.dma_semaphore, #tpu.memory_space<semaphore_mem>>) {add = true}
    } else {
    }
    %add3A_43 = arith.constant 0 : i32
    %add3A_44 = arith.addi %add3A, %add3A_43 : i32
    %lt3A_45 = arith.constant 140 : i32
    %lt3A_46 = arith.cmpi slt, %add3A_44, %lt3A_45 : i32
    %convert_element_type3A_47 = arith.extui %lt3A_46 : i1 to i32
    %cond3A_48 = arith.constant 0 : i32
    %cond3A_49 = arith.cmpi ne, %convert_element_type3A_47, %cond3A_48 : i32
    scf.if %cond3A_49 {
      %dma_wait3A = arith.constant 0 : i32
      %dma_wait3A_133 = arith.constant 0 : i32
      %dma_wait3A_134 = tpu.memref_slice %arg6[%dma_wait3A, %dma_wait3A_133] : memref<400x128xf32, #tpu.memory_space<vmem>> -> memref<80x128xf32, #tpu.memory_space<vmem>>
      %dma_wait3A_135 = arith.constant 0 : i32
      %dma_wait3A_136 = arith.constant 0 : i32
      %dma_wait3A_137 = tpu.memref_slice %arg21[%dma_wait3A_135, %dma_wait3A_136] : memref<64x128xf32, #tpu.memory_space<vmem_shared>> -> memref<64x128xf32, #tpu.memory_space<vmem_shared>>
      tpu.wait_indirect_dma semaphore(%arg25 : memref<!tpu.dma_semaphore, #tpu.memory_space<semaphore_mem>>) src(%dma_wait3A_134 : memref<80x128xf32, #tpu.memory_space<vmem>>) dst(%dma_wait3A_137 : memref<64x128xf32, #tpu.memory_space<vmem_shared>>)
      %dma_wait3A_138 = arith.constant 0 : i32
      %dma_wait3A_139 = tpu.memref_slice %arg22[%dma_wait3A_138] : memref<64xf32, #tpu.memory_space<vmem_shared>> -> memref<64xf32, #tpu.memory_space<vmem_shared>>
      tpu.wait_indirect_dma semaphore(%arg25 : memref<!tpu.dma_semaphore, #tpu.memory_space<semaphore_mem>>) src(%arg18 : memref<80xf32, #tpu.memory_space<vmem>>) dst(%dma_wait3A_139 : memref<64xf32, #tpu.memory_space<vmem_shared>>)
      %dma_wait3A_140 = arith.constant 80 : i32
      %dma_wait3A_141 = arith.constant 0 : i32
      %dma_wait3A_142 = tpu.memref_slice %arg6[%dma_wait3A_140, %dma_wait3A_141] : memref<400x128xf32, #tpu.memory_space<vmem>> -> memref<80x128xf32, #tpu.memory_space<vmem>>
      %dma_wait3A_143 = arith.constant 0 : i32
      %dma_wait3A_144 = arith.constant 0 : i32
      %dma_wait3A_145 = tpu.memref_slice %arg21[%dma_wait3A_143, %dma_wait3A_144] : memref<64x128xf32, #tpu.memory_space<vmem_shared>> -> memref<64x128xf32, #tpu.memory_space<vmem_shared>>
      tpu.wait_indirect_dma semaphore(%arg25 : memref<!tpu.dma_semaphore, #tpu.memory_space<semaphore_mem>>) src(%dma_wait3A_142 : memref<80x128xf32, #tpu.memory_space<vmem>>) dst(%dma_wait3A_145 : memref<64x128xf32, #tpu.memory_space<vmem_shared>>)
      %dma_wait3A_146 = arith.constant 0 : i32
      %dma_wait3A_147 = tpu.memref_slice %arg22[%dma_wait3A_146] : memref<64xf32, #tpu.memory_space<vmem_shared>> -> memref<64xf32, #tpu.memory_space<vmem_shared>>
      tpu.wait_indirect_dma semaphore(%arg25 : memref<!tpu.dma_semaphore, #tpu.memory_space<semaphore_mem>>) src(%arg18 : memref<80xf32, #tpu.memory_space<vmem>>) dst(%dma_wait3A_147 : memref<64xf32, #tpu.memory_space<vmem_shared>>)
      %dma_wait3A_148 = arith.constant 160 : i32
      %dma_wait3A_149 = arith.constant 0 : i32
      %dma_wait3A_150 = tpu.memref_slice %arg6[%dma_wait3A_148, %dma_wait3A_149] : memref<400x128xf32, #tpu.memory_space<vmem>> -> memref<80x128xf32, #tpu.memory_space<vmem>>
      %dma_wait3A_151 = arith.constant 0 : i32
      %dma_wait3A_152 = arith.constant 0 : i32
      %dma_wait3A_153 = tpu.memref_slice %arg21[%dma_wait3A_151, %dma_wait3A_152] : memref<64x128xf32, #tpu.memory_space<vmem_shared>> -> memref<64x128xf32, #tpu.memory_space<vmem_shared>>
      tpu.wait_indirect_dma semaphore(%arg25 : memref<!tpu.dma_semaphore, #tpu.memory_space<semaphore_mem>>) src(%dma_wait3A_150 : memref<80x128xf32, #tpu.memory_space<vmem>>) dst(%dma_wait3A_153 : memref<64x128xf32, #tpu.memory_space<vmem_shared>>)
      %dma_wait3A_154 = arith.constant 0 : i32
      %dma_wait3A_155 = tpu.memref_slice %arg22[%dma_wait3A_154] : memref<64xf32, #tpu.memory_space<vmem_shared>> -> memref<64xf32, #tpu.memory_space<vmem_shared>>
      tpu.wait_indirect_dma semaphore(%arg25 : memref<!tpu.dma_semaphore, #tpu.memory_space<semaphore_mem>>) src(%arg18 : memref<80xf32, #tpu.memory_space<vmem>>) dst(%dma_wait3A_155 : memref<64xf32, #tpu.memory_space<vmem_shared>>)
      %dma_wait3A_156 = arith.constant 240 : i32
      %dma_wait3A_157 = arith.constant 0 : i32
      %dma_wait3A_158 = tpu.memref_slice %arg6[%dma_wait3A_156, %dma_wait3A_157] : memref<400x128xf32, #tpu.memory_space<vmem>> -> memref<80x128xf32, #tpu.memory_space<vmem>>
      %dma_wait3A_159 = arith.constant 0 : i32
      %dma_wait3A_160 = arith.constant 0 : i32
      %dma_wait3A_161 = tpu.memref_slice %arg21[%dma_wait3A_159, %dma_wait3A_160] : memref<64x128xf32, #tpu.memory_space<vmem_shared>> -> memref<64x128xf32, #tpu.memory_space<vmem_shared>>
      tpu.wait_indirect_dma semaphore(%arg25 : memref<!tpu.dma_semaphore, #tpu.memory_space<semaphore_mem>>) src(%dma_wait3A_158 : memref<80x128xf32, #tpu.memory_space<vmem>>) dst(%dma_wait3A_161 : memref<64x128xf32, #tpu.memory_space<vmem_shared>>)
      %dma_wait3A_162 = arith.constant 0 : i32
      %dma_wait3A_163 = tpu.memref_slice %arg22[%dma_wait3A_162] : memref<64xf32, #tpu.memory_space<vmem_shared>> -> memref<64xf32, #tpu.memory_space<vmem_shared>>
      tpu.wait_indirect_dma semaphore(%arg25 : memref<!tpu.dma_semaphore, #tpu.memory_space<semaphore_mem>>) src(%arg18 : memref<80xf32, #tpu.memory_space<vmem>>) dst(%dma_wait3A_163 : memref<64xf32, #tpu.memory_space<vmem_shared>>)
      %dma_wait3A_164 = arith.constant 320 : i32
      %dma_wait3A_165 = arith.constant 0 : i32
      %dma_wait3A_166 = tpu.memref_slice %arg6[%dma_wait3A_164, %dma_wait3A_165] : memref<400x128xf32, #tpu.memory_space<vmem>> -> memref<80x128xf32, #tpu.memory_space<vmem>>
      %dma_wait3A_167 = arith.constant 0 : i32
      %dma_wait3A_168 = arith.constant 0 : i32
      %dma_wait3A_169 = tpu.memref_slice %arg21[%dma_wait3A_167, %dma_wait3A_168] : memref<64x128xf32, #tpu.memory_space<vmem_shared>> -> memref<64x128xf32, #tpu.memory_space<vmem_shared>>
      tpu.wait_indirect_dma semaphore(%arg25 : memref<!tpu.dma_semaphore, #tpu.memory_space<semaphore_mem>>) src(%dma_wait3A_166 : memref<80x128xf32, #tpu.memory_space<vmem>>) dst(%dma_wait3A_169 : memref<64x128xf32, #tpu.memory_space<vmem_shared>>)
      %dma_wait3A_170 = arith.constant 0 : i32
      %dma_wait3A_171 = tpu.memref_slice %arg22[%dma_wait3A_170] : memref<64xf32, #tpu.memory_space<vmem_shared>> -> memref<64xf32, #tpu.memory_space<vmem_shared>>
      tpu.wait_indirect_dma semaphore(%arg25 : memref<!tpu.dma_semaphore, #tpu.memory_space<semaphore_mem>>) src(%arg18 : memref<80xf32, #tpu.memory_space<vmem>>) dst(%dma_wait3A_171 : memref<64xf32, #tpu.memory_space<vmem_shared>>)
    } else {
    }
    %add3A_50 = arith.constant 64 : i32
    %add3A_51 = arith.addi %add3A, %add3A_50 : i32
    %lt3A_52 = arith.constant 140 : i32
    %lt3A_53 = arith.cmpi slt, %add3A_51, %lt3A_52 : i32
    %convert_element_type3A_54 = arith.extui %lt3A_53 : i1 to i32
    %cond3A_55 = arith.constant 0 : i32
    %cond3A_56 = arith.cmpi ne, %convert_element_type3A_54, %cond3A_55 : i32
    scf.if %cond3A_56 {
      %add3A_133 = arith.constant 64 : i32
      %add3A_134 = arith.addi %add3A, %add3A_133 : i32
      %mul3A_135 = arith.constant 400 : i32
      %mul3A_136 = arith.muli %add3A_134, %mul3A_135 : i32
      %add3A_137 = arith.constant 0 : i32
      %add3A_138 = arith.addi %mul3A_136, %add3A_137 : i32
      %add3A_139 = arith.constant 80 : i32
      %add3A_140 = arith.addi %mul3A_136, %add3A_139 : i32
      %add3A_141 = arith.constant 160 : i32
      %add3A_142 = arith.addi %mul3A_136, %add3A_141 : i32
      %add3A_143 = arith.constant 240 : i32
      %add3A_144 = arith.addi %mul3A_136, %add3A_143 : i32
      %add3A_145 = arith.constant 320 : i32
      %add3A_146 = arith.addi %mul3A_136, %add3A_145 : i32
      %dma_start3A = arith.constant 0 : i32
      %dma_start3A_147 = tpu.memref_slice %arg2[%mul3A_136, %dma_start3A] : memref<100000x128xf32, #tpu.memory_space<hbm>> -> memref<400x128xf32, #tpu.memory_space<hbm>>
      %dma_start3A_148 = arith.constant 0 : i32
      %dma_start3A_149 = tpu.memref_slice %arg2[%mul3A_136, %dma_start3A_148] : memref<100000x128xf32, #tpu.memory_space<hbm>> -> memref<400x128xf32, #tpu.memory_space<hbm>>
      tpu.enqueue_dma source(%dma_start3A_149 : memref<400x128xf32, #tpu.memory_space<hbm>>) target(%arg6 : memref<400x128xf32, #tpu.memory_space<vmem>>) target_semaphore(%arg23 : memref<!tpu.dma_semaphore, #tpu.memory_space<semaphore_mem>>)
      %dma_start3A_150 = tpu.memref_slice %arg3[%add3A_138] : memref<100000xi32, #tpu.memory_space<hbm>> -> memref<80xi32, #tpu.memory_space<hbm>>
      %dma_start3A_151 = tpu.memref_slice %arg3[%add3A_138] : memref<100000xi32, #tpu.memory_space<hbm>> -> memref<80xi32, #tpu.memory_space<hbm>>
      tpu.enqueue_dma source(%dma_start3A_151 : memref<80xi32, #tpu.memory_space<hbm>>) target(%arg8 : memref<80xi32, #tpu.memory_space<vmem>>) target_semaphore(%arg23 : memref<!tpu.dma_semaphore, #tpu.memory_space<semaphore_mem>>)
      %dma_start3A_152 = tpu.memref_slice %arg3[%add3A_140] : memref<100000xi32, #tpu.memory_space<hbm>> -> memref<80xi32, #tpu.memory_space<hbm>>
      %dma_start3A_153 = tpu.memref_slice %arg3[%add3A_140] : memref<100000xi32, #tpu.memory_space<hbm>> -> memref<80xi32, #tpu.memory_space<hbm>>
      tpu.enqueue_dma source(%dma_start3A_153 : memref<80xi32, #tpu.memory_space<hbm>>) target(%arg9 : memref<80xi32, #tpu.memory_space<vmem>>) target_semaphore(%arg23 : memref<!tpu.dma_semaphore, #tpu.memory_space<semaphore_mem>>)
      %dma_start3A_154 = tpu.memref_slice %arg3[%add3A_142] : memref<100000xi32, #tpu.memory_space<hbm>> -> memref<80xi32, #tpu.memory_space<hbm>>
      %dma_start3A_155 = tpu.memref_slice %arg3[%add3A_142] : memref<100000xi32, #tpu.memory_space<hbm>> -> memref<80xi32, #tpu.memory_space<hbm>>
      tpu.enqueue_dma source(%dma_start3A_155 : memref<80xi32, #tpu.memory_space<hbm>>) target(%arg10 : memref<80xi32, #tpu.memory_space<vmem>>) target_semaphore(%arg23 : memref<!tpu.dma_semaphore, #tpu.memory_space<semaphore_mem>>)
      %dma_start3A_156 = tpu.memref_slice %arg3[%add3A_144] : memref<100000xi32, #tpu.memory_space<hbm>> -> memref<80xi32, #tpu.memory_space<hbm>>
      %dma_start3A_157 = tpu.memref_slice %arg3[%add3A_144] : memref<100000xi32, #tpu.memory_space<hbm>> -> memref<80xi32, #tpu.memory_space<hbm>>
      tpu.enqueue_dma source(%dma_start3A_157 : memref<80xi32, #tpu.memory_space<hbm>>) target(%arg11 : memref<80xi32, #tpu.memory_space<vmem>>) target_semaphore(%arg23 : memref<!tpu.dma_semaphore, #tpu.memory_space<semaphore_mem>>)
      %dma_start3A_158 = tpu.memref_slice %arg3[%add3A_146] : memref<100000xi32, #tpu.memory_space<hbm>> -> memref<80xi32, #tpu.memory_space<hbm>>
      %dma_start3A_159 = tpu.memref_slice %arg3[%add3A_146] : memref<100000xi32, #tpu.memory_space<hbm>> -> memref<80xi32, #tpu.memory_space<hbm>>
      tpu.enqueue_dma source(%dma_start3A_159 : memref<80xi32, #tpu.memory_space<hbm>>) target(%arg12 : memref<80xi32, #tpu.memory_space<vmem>>) target_semaphore(%arg23 : memref<!tpu.dma_semaphore, #tpu.memory_space<semaphore_mem>>)
    } else {
    }
    %add3A_57 = arith.constant 32 : i32
    %add3A_58 = arith.addi %add3A, %add3A_57 : i32
    %lt3A_59 = arith.constant 140 : i32
    %lt3A_60 = arith.cmpi slt, %add3A_58, %lt3A_59 : i32
    %convert_element_type3A_61 = arith.extui %lt3A_60 : i1 to i32
    %cond3A_62 = arith.constant 0 : i32
    %cond3A_63 = arith.cmpi ne, %convert_element_type3A_61, %cond3A_62 : i32
    scf.if %cond3A_63 {
      %add3A_133 = arith.constant 32 : i32
      %add3A_134 = arith.addi %add3A, %add3A_133 : i32
      %mul3A_135 = arith.constant 400 : i32
      %mul3A_136 = arith.muli %add3A_134, %mul3A_135 : i32
      %add3A_137 = arith.constant 0 : i32
      %add3A_138 = arith.addi %mul3A_136, %add3A_137 : i32
      %add3A_139 = arith.constant 80 : i32
      %add3A_140 = arith.addi %mul3A_136, %add3A_139 : i32
      %add3A_141 = arith.constant 160 : i32
      %add3A_142 = arith.addi %mul3A_136, %add3A_141 : i32
      %add3A_143 = arith.constant 240 : i32
      %add3A_144 = arith.addi %mul3A_136, %add3A_143 : i32
      %add3A_145 = arith.constant 320 : i32
      %add3A_146 = arith.addi %mul3A_136, %add3A_145 : i32
      %dma_wait3A = arith.constant 0 : i32
      %dma_wait3A_147 = tpu.memref_slice %arg2[%mul3A_136, %dma_wait3A] : memref<100000x128xf32, #tpu.memory_space<hbm>> -> memref<400x128xf32, #tpu.memory_space<hbm>>
      %dma_wait3A_148 = arith.constant 0 : i32
      %dma_wait3A_149 = tpu.memref_slice %arg2[%mul3A_136, %dma_wait3A_148] : memref<100000x128xf32, #tpu.memory_space<hbm>> -> memref<400x128xf32, #tpu.memory_space<hbm>>
      tpu.wait_dma2 semaphore(%arg24 : memref<!tpu.dma_semaphore, #tpu.memory_space<semaphore_mem>>) src(%dma_wait3A_149 : memref<400x128xf32, #tpu.memory_space<hbm>>) dst(%arg7 : memref<400x128xf32, #tpu.memory_space<vmem>>)
      %dma_wait3A_150 = tpu.memref_slice %arg3[%add3A_138] : memref<100000xi32, #tpu.memory_space<hbm>> -> memref<80xi32, #tpu.memory_space<hbm>>
      %dma_wait3A_151 = tpu.memref_slice %arg3[%add3A_138] : memref<100000xi32, #tpu.memory_space<hbm>> -> memref<80xi32, #tpu.memory_space<hbm>>
      tpu.wait_dma2 semaphore(%arg24 : memref<!tpu.dma_semaphore, #tpu.memory_space<semaphore_mem>>) src(%dma_wait3A_151 : memref<80xi32, #tpu.memory_space<hbm>>) dst(%arg13 : memref<80xi32, #tpu.memory_space<vmem>>)
      %dma_wait3A_152 = tpu.memref_slice %arg3[%add3A_140] : memref<100000xi32, #tpu.memory_space<hbm>> -> memref<80xi32, #tpu.memory_space<hbm>>
      %dma_wait3A_153 = tpu.memref_slice %arg3[%add3A_140] : memref<100000xi32, #tpu.memory_space<hbm>> -> memref<80xi32, #tpu.memory_space<hbm>>
      tpu.wait_dma2 semaphore(%arg24 : memref<!tpu.dma_semaphore, #tpu.memory_space<semaphore_mem>>) src(%dma_wait3A_153 : memref<80xi32, #tpu.memory_space<hbm>>) dst(%arg14 : memref<80xi32, #tpu.memory_space<vmem>>)
      %dma_wait3A_154 = tpu.memref_slice %arg3[%add3A_142] : memref<100000xi32, #tpu.memory_space<hbm>> -> memref<80xi32, #tpu.memory_space<hbm>>
      %dma_wait3A_155 = tpu.memref_slice %arg3[%add3A_142] : memref<100000xi32, #tpu.memory_space<hbm>> -> memref<80xi32, #tpu.memory_space<hbm>>
      tpu.wait_dma2 semaphore(%arg24 : memref<!tpu.dma_semaphore, #tpu.memory_space<semaphore_mem>>) src(%dma_wait3A_155 : memref<80xi32, #tpu.memory_space<hbm>>) dst(%arg15 : memref<80xi32, #tpu.memory_space<vmem>>)
      %dma_wait3A_156 = tpu.memref_slice %arg3[%add3A_144] : memref<100000xi32, #tpu.memory_space<hbm>> -> memref<80xi32, #tpu.memory_space<hbm>>
      %dma_wait3A_157 = tpu.memref_slice %arg3[%add3A_144] : memref<100000xi32, #tpu.memory_space<hbm>> -> memref<80xi32, #tpu.memory_space<hbm>>
      tpu.wait_dma2 semaphore(%arg24 : memref<!tpu.dma_semaphore, #tpu.memory_space<semaphore_mem>>) src(%dma_wait3A_157 : memref<80xi32, #tpu.memory_space<hbm>>) dst(%arg16 : memref<80xi32, #tpu.memory_space<vmem>>)
      %dma_wait3A_158 = tpu.memref_slice %arg3[%add3A_146] : memref<100000xi32, #tpu.memory_space<hbm>> -> memref<80xi32, #tpu.memory_space<hbm>>
      %dma_wait3A_159 = tpu.memref_slice %arg3[%add3A_146] : memref<100000xi32, #tpu.memory_space<hbm>> -> memref<80xi32, #tpu.memory_space<hbm>>
      tpu.wait_dma2 semaphore(%arg24 : memref<!tpu.dma_semaphore, #tpu.memory_space<semaphore_mem>>) src(%dma_wait3A_159 : memref<80xi32, #tpu.memory_space<hbm>>) dst(%arg17 : memref<80xi32, #tpu.memory_space<vmem>>)
      %dma_start3A = arith.constant 0 : i32
      %dma_start3A_160 = arith.constant 0 : i32
      %dma_start3A_161 = tpu.memref_slice %arg7[%dma_start3A, %dma_start3A_160] : memref<400x128xf32, #tpu.memory_space<vmem>> -> memref<80x128xf32, #tpu.memory_space<vmem>>
      %dma_start3A_162 = arith.constant 0 : i32
      %dma_start3A_163 = arith.constant 0 : i32
      %dma_start3A_164 = tpu.memref_slice %arg21[%dma_start3A_162, %dma_start3A_163] : memref<64x128xf32, #tpu.memory_space<vmem_shared>> -> memref<64x128xf32, #tpu.memory_space<vmem_shared>>
      tpu.enqueue_indirect_dma source(%dma_start3A_161 : memref<80x128xf32, #tpu.memory_space<vmem>>) target(%dma_start3A_164 : memref<64x128xf32, #tpu.memory_space<vmem_shared>>) offsets(%arg13 : memref<80xi32, #tpu.memory_space<vmem>>) semaphore(%arg26 : memref<!tpu.dma_semaphore, #tpu.memory_space<semaphore_mem>>) {add = true}
      %dma_start3A_165 = arith.constant 0 : i32
      %dma_start3A_166 = tpu.memref_slice %arg22[%dma_start3A_165] : memref<64xf32, #tpu.memory_space<vmem_shared>> -> memref<64xf32, #tpu.memory_space<vmem_shared>>
      tpu.enqueue_indirect_dma source(%arg18 : memref<80xf32, #tpu.memory_space<vmem>>) target(%dma_start3A_166 : memref<64xf32, #tpu.memory_space<vmem_shared>>) offsets(%arg13 : memref<80xi32, #tpu.memory_space<vmem>>) semaphore(%arg26 : memref<!tpu.dma_semaphore, #tpu.memory_space<semaphore_mem>>) {add = true}
      %dma_start3A_167 = arith.constant 80 : i32
      %dma_start3A_168 = arith.constant 0 : i32
      %dma_start3A_169 = tpu.memref_slice %arg7[%dma_start3A_167, %dma_start3A_168] : memref<400x128xf32, #tpu.memory_space<vmem>> -> memref<80x128xf32, #tpu.memory_space<vmem>>
      %dma_start3A_170 = arith.constant 0 : i32
      %dma_start3A_171 = arith.constant 0 : i32
      %dma_start3A_172 = tpu.memref_slice %arg21[%dma_start3A_170, %dma_start3A_171] : memref<64x128xf32, #tpu.memory_space<vmem_shared>> -> memref<64x128xf32, #tpu.memory_space<vmem_shared>>
      tpu.enqueue_indirect_dma source(%dma_start3A_169 : memref<80x128xf32, #tpu.memory_space<vmem>>) target(%dma_start3A_172 : memref<64x128xf32, #tpu.memory_space<vmem_shared>>) offsets(%arg14 : memref<80xi32, #tpu.memory_space<vmem>>) semaphore(%arg26 : memref<!tpu.dma_semaphore, #tpu.memory_space<semaphore_mem>>) {add = true}
      %dma_start3A_173 = arith.constant 0 : i32
      %dma_start3A_174 = tpu.memref_slice %arg22[%dma_start3A_173] : memref<64xf32, #tpu.memory_space<vmem_shared>> -> memref<64xf32, #tpu.memory_space<vmem_shared>>
      tpu.enqueue_indirect_dma source(%arg18 : memref<80xf32, #tpu.memory_space<vmem>>) target(%dma_start3A_174 : memref<64xf32, #tpu.memory_space<vmem_shared>>) offsets(%arg14 : memref<80xi32, #tpu.memory_space<vmem>>) semaphore(%arg26 : memref<!tpu.dma_semaphore, #tpu.memory_space<semaphore_mem>>) {add = true}
      %dma_start3A_175 = arith.constant 160 : i32
      %dma_start3A_176 = arith.constant 0 : i32
      %dma_start3A_177 = tpu.memref_slice %arg7[%dma_start3A_175, %dma_start3A_176] : memref<400x128xf32, #tpu.memory_space<vmem>> -> memref<80x128xf32, #tpu.memory_space<vmem>>
      %dma_start3A_178 = arith.constant 0 : i32
      %dma_start3A_179 = arith.constant 0 : i32
      %dma_start3A_180 = tpu.memref_slice %arg21[%dma_start3A_178, %dma_start3A_179] : memref<64x128xf32, #tpu.memory_space<vmem_shared>> -> memref<64x128xf32, #tpu.memory_space<vmem_shared>>
      tpu.enqueue_indirect_dma source(%dma_start3A_177 : memref<80x128xf32, #tpu.memory_space<vmem>>) target(%dma_start3A_180 : memref<64x128xf32, #tpu.memory_space<vmem_shared>>) offsets(%arg15 : memref<80xi32, #tpu.memory_space<vmem>>) semaphore(%arg26 : memref<!tpu.dma_semaphore, #tpu.memory_space<semaphore_mem>>) {add = true}
      %dma_start3A_181 = arith.constant 0 : i32
      %dma_start3A_182 = tpu.memref_slice %arg22[%dma_start3A_181] : memref<64xf32, #tpu.memory_space<vmem_shared>> -> memref<64xf32, #tpu.memory_space<vmem_shared>>
      tpu.enqueue_indirect_dma source(%arg18 : memref<80xf32, #tpu.memory_space<vmem>>) target(%dma_start3A_182 : memref<64xf32, #tpu.memory_space<vmem_shared>>) offsets(%arg15 : memref<80xi32, #tpu.memory_space<vmem>>) semaphore(%arg26 : memref<!tpu.dma_semaphore, #tpu.memory_space<semaphore_mem>>) {add = true}
      %dma_start3A_183 = arith.constant 240 : i32
      %dma_start3A_184 = arith.constant 0 : i32
      %dma_start3A_185 = tpu.memref_slice %arg7[%dma_start3A_183, %dma_start3A_184] : memref<400x128xf32, #tpu.memory_space<vmem>> -> memref<80x128xf32, #tpu.memory_space<vmem>>
      %dma_start3A_186 = arith.constant 0 : i32
      %dma_start3A_187 = arith.constant 0 : i32
      %dma_start3A_188 = tpu.memref_slice %arg21[%dma_start3A_186, %dma_start3A_187] : memref<64x128xf32, #tpu.memory_space<vmem_shared>> -> memref<64x128xf32, #tpu.memory_space<vmem_shared>>
      tpu.enqueue_indirect_dma source(%dma_start3A_185 : memref<80x128xf32, #tpu.memory_space<vmem>>) target(%dma_start3A_188 : memref<64x128xf32, #tpu.memory_space<vmem_shared>>) offsets(%arg16 : memref<80xi32, #tpu.memory_space<vmem>>) semaphore(%arg26 : memref<!tpu.dma_semaphore, #tpu.memory_space<semaphore_mem>>) {add = true}
      %dma_start3A_189 = arith.constant 0 : i32
      %dma_start3A_190 = tpu.memref_slice %arg22[%dma_start3A_189] : memref<64xf32, #tpu.memory_space<vmem_shared>> -> memref<64xf32, #tpu.memory_space<vmem_shared>>
      tpu.enqueue_indirect_dma source(%arg18 : memref<80xf32, #tpu.memory_space<vmem>>) target(%dma_start3A_190 : memref<64xf32, #tpu.memory_space<vmem_shared>>) offsets(%arg16 : memref<80xi32, #tpu.memory_space<vmem>>) semaphore(%arg26 : memref<!tpu.dma_semaphore, #tpu.memory_space<semaphore_mem>>) {add = true}
      %dma_start3A_191 = arith.constant 320 : i32
      %dma_start3A_192 = arith.constant 0 : i32
      %dma_start3A_193 = tpu.memref_slice %arg7[%dma_start3A_191, %dma_start3A_192] : memref<400x128xf32, #tpu.memory_space<vmem>> -> memref<80x128xf32, #tpu.memory_space<vmem>>
      %dma_start3A_194 = arith.constant 0 : i32
      %dma_start3A_195 = arith.constant 0 : i32
      %dma_start3A_196 = tpu.memref_slice %arg21[%dma_start3A_194, %dma_start3A_195] : memref<64x128xf32, #tpu.memory_space<vmem_shared>> -> memref<64x128xf32, #tpu.memory_space<vmem_shared>>
      tpu.enqueue_indirect_dma source(%dma_start3A_193 : memref<80x128xf32, #tpu.memory_space<vmem>>) target(%dma_start3A_196 : memref<64x128xf32, #tpu.memory_space<vmem_shared>>) offsets(%arg17 : memref<80xi32, #tpu.memory_space<vmem>>) semaphore(%arg26 : memref<!tpu.dma_semaphore, #tpu.memory_space<semaphore_mem>>) {add = true}
      %dma_start3A_197 = arith.constant 0 : i32
      %dma_start3A_198 = tpu.memref_slice %arg22[%dma_start3A_197] : memref<64xf32, #tpu.memory_space<vmem_shared>> -> memref<64xf32, #tpu.memory_space<vmem_shared>>
      tpu.enqueue_indirect_dma source(%arg18 : memref<80xf32, #tpu.memory_space<vmem>>) target(%dma_start3A_198 : memref<64xf32, #tpu.memory_space<vmem_shared>>) offsets(%arg17 : memref<80xi32, #tpu.memory_space<vmem>>) semaphore(%arg26 : memref<!tpu.dma_semaphore, #tpu.memory_space<semaphore_mem>>) {add = true}
    } else {
    }
    %add3A_64 = arith.constant 32 : i32
    %add3A_65 = arith.addi %add3A, %add3A_64 : i32
    %lt3A_66 = arith.constant 140 : i32
    %lt3A_67 = arith.cmpi slt, %add3A_65, %lt3A_66 : i32
    %convert_element_type3A_68 = arith.extui %lt3A_67 : i1 to i32
    %cond3A_69 = arith.constant 0 : i32
    %cond3A_70 = arith.cmpi ne, %convert_element_type3A_68, %cond3A_69 : i32
    scf.if %cond3A_70 {
      %dma_wait3A = arith.constant 0 : i32
      %dma_wait3A_133 = arith.constant 0 : i32
      %dma_wait3A_134 = tpu.memref_slice %arg7[%dma_wait3A, %dma_wait3A_133] : memref<400x128xf32, #tpu.memory_space<vmem>> -> memref<80x128xf32, #tpu.memory_space<vmem>>
      %dma_wait3A_135 = arith.constant 0 : i32
      %dma_wait3A_136 = arith.constant 0 : i32
      %dma_wait3A_137 = tpu.memref_slice %arg21[%dma_wait3A_135, %dma_wait3A_136] : memref<64x128xf32, #tpu.memory_space<vmem_shared>> -> memref<64x128xf32, #tpu.memory_space<vmem_shared>>
      tpu.wait_indirect_dma semaphore(%arg26 : memref<!tpu.dma_semaphore, #tpu.memory_space<semaphore_mem>>) src(%dma_wait3A_134 : memref<80x128xf32, #tpu.memory_space<vmem>>) dst(%dma_wait3A_137 : memref<64x128xf32, #tpu.memory_space<vmem_shared>>)
      %dma_wait3A_138 = arith.constant 0 : i32
      %dma_wait3A_139 = tpu.memref_slice %arg22[%dma_wait3A_138] : memref<64xf32, #tpu.memory_space<vmem_shared>> -> memref<64xf32, #tpu.memory_space<vmem_shared>>
      tpu.wait_indirect_dma semaphore(%arg26 : memref<!tpu.dma_semaphore, #tpu.memory_space<semaphore_mem>>) src(%arg18 : memref<80xf32, #tpu.memory_space<vmem>>) dst(%dma_wait3A_139 : memref<64xf32, #tpu.memory_space<vmem_shared>>)
      %dma_wait3A_140 = arith.constant 80 : i32
      %dma_wait3A_141 = arith.constant 0 : i32
      %dma_wait3A_142 = tpu.memref_slice %arg7[%dma_wait3A_140, %dma_wait3A_141] : memref<400x128xf32, #tpu.memory_space<vmem>> -> memref<80x128xf32, #tpu.memory_space<vmem>>
      %dma_wait3A_143 = arith.constant 0 : i32
      %dma_wait3A_144 = arith.constant 0 : i32
      %dma_wait3A_145 = tpu.memref_slice %arg21[%dma_wait3A_143, %dma_wait3A_144] : memref<64x128xf32, #tpu.memory_space<vmem_shared>> -> memref<64x128xf32, #tpu.memory_space<vmem_shared>>
      tpu.wait_indirect_dma semaphore(%arg26 : memref<!tpu.dma_semaphore, #tpu.memory_space<semaphore_mem>>) src(%dma_wait3A_142 : memref<80x128xf32, #tpu.memory_space<vmem>>) dst(%dma_wait3A_145 : memref<64x128xf32, #tpu.memory_space<vmem_shared>>)
      %dma_wait3A_146 = arith.constant 0 : i32
      %dma_wait3A_147 = tpu.memref_slice %arg22[%dma_wait3A_146] : memref<64xf32, #tpu.memory_space<vmem_shared>> -> memref<64xf32, #tpu.memory_space<vmem_shared>>
      tpu.wait_indirect_dma semaphore(%arg26 : memref<!tpu.dma_semaphore, #tpu.memory_space<semaphore_mem>>) src(%arg18 : memref<80xf32, #tpu.memory_space<vmem>>) dst(%dma_wait3A_147 : memref<64xf32, #tpu.memory_space<vmem_shared>>)
      %dma_wait3A_148 = arith.constant 160 : i32
      %dma_wait3A_149 = arith.constant 0 : i32
      %dma_wait3A_150 = tpu.memref_slice %arg7[%dma_wait3A_148, %dma_wait3A_149] : memref<400x128xf32, #tpu.memory_space<vmem>> -> memref<80x128xf32, #tpu.memory_space<vmem>>
      %dma_wait3A_151 = arith.constant 0 : i32
      %dma_wait3A_152 = arith.constant 0 : i32
      %dma_wait3A_153 = tpu.memref_slice %arg21[%dma_wait3A_151, %dma_wait3A_152] : memref<64x128xf32, #tpu.memory_space<vmem_shared>> -> memref<64x128xf32, #tpu.memory_space<vmem_shared>>
      tpu.wait_indirect_dma semaphore(%arg26 : memref<!tpu.dma_semaphore, #tpu.memory_space<semaphore_mem>>) src(%dma_wait3A_150 : memref<80x128xf32, #tpu.memory_space<vmem>>) dst(%dma_wait3A_153 : memref<64x128xf32, #tpu.memory_space<vmem_shared>>)
      %dma_wait3A_154 = arith.constant 0 : i32
      %dma_wait3A_155 = tpu.memref_slice %arg22[%dma_wait3A_154] : memref<64xf32, #tpu.memory_space<vmem_shared>> -> memref<64xf32, #tpu.memory_space<vmem_shared>>
      tpu.wait_indirect_dma semaphore(%arg26 : memref<!tpu.dma_semaphore, #tpu.memory_space<semaphore_mem>>) src(%arg18 : memref<80xf32, #tpu.memory_space<vmem>>) dst(%dma_wait3A_155 : memref<64xf32, #tpu.memory_space<vmem_shared>>)
      %dma_wait3A_156 = arith.constant 240 : i32
      %dma_wait3A_157 = arith.constant 0 : i32
      %dma_wait3A_158 = tpu.memref_slice %arg7[%dma_wait3A_156, %dma_wait3A_157] : memref<400x128xf32, #tpu.memory_space<vmem>> -> memref<80x128xf32, #tpu.memory_space<vmem>>
      %dma_wait3A_159 = arith.constant 0 : i32
      %dma_wait3A_160 = arith.constant 0 : i32
      %dma_wait3A_161 = tpu.memref_slice %arg21[%dma_wait3A_159, %dma_wait3A_160] : memref<64x128xf32, #tpu.memory_space<vmem_shared>> -> memref<64x128xf32, #tpu.memory_space<vmem_shared>>
      tpu.wait_indirect_dma semaphore(%arg26 : memref<!tpu.dma_semaphore, #tpu.memory_space<semaphore_mem>>) src(%dma_wait3A_158 : memref<80x128xf32, #tpu.memory_space<vmem>>) dst(%dma_wait3A_161 : memref<64x128xf32, #tpu.memory_space<vmem_shared>>)
      %dma_wait3A_162 = arith.constant 0 : i32
      %dma_wait3A_163 = tpu.memref_slice %arg22[%dma_wait3A_162] : memref<64xf32, #tpu.memory_space<vmem_shared>> -> memref<64xf32, #tpu.memory_space<vmem_shared>>
      tpu.wait_indirect_dma semaphore(%arg26 : memref<!tpu.dma_semaphore, #tpu.memory_space<semaphore_mem>>) src(%arg18 : memref<80xf32, #tpu.memory_space<vmem>>) dst(%dma_wait3A_163 : memref<64xf32, #tpu.memory_space<vmem_shared>>)
      %dma_wait3A_164 = arith.constant 320 : i32
      %dma_wait3A_165 = arith.constant 0 : i32
      %dma_wait3A_166 = tpu.memref_slice %arg7[%dma_wait3A_164, %dma_wait3A_165] : memref<400x128xf32, #tpu.memory_space<vmem>> -> memref<80x128xf32, #tpu.memory_space<vmem>>
      %dma_wait3A_167 = arith.constant 0 : i32
      %dma_wait3A_168 = arith.constant 0 : i32
      %dma_wait3A_169 = tpu.memref_slice %arg21[%dma_wait3A_167, %dma_wait3A_168] : memref<64x128xf32, #tpu.memory_space<vmem_shared>> -> memref<64x128xf32, #tpu.memory_space<vmem_shared>>
      tpu.wait_indirect_dma semaphore(%arg26 : memref<!tpu.dma_semaphore, #tpu.memory_space<semaphore_mem>>) src(%dma_wait3A_166 : memref<80x128xf32, #tpu.memory_space<vmem>>) dst(%dma_wait3A_169 : memref<64x128xf32, #tpu.memory_space<vmem_shared>>)
      %dma_wait3A_170 = arith.constant 0 : i32
      %dma_wait3A_171 = tpu.memref_slice %arg22[%dma_wait3A_170] : memref<64xf32, #tpu.memory_space<vmem_shared>> -> memref<64xf32, #tpu.memory_space<vmem_shared>>
      tpu.wait_indirect_dma semaphore(%arg26 : memref<!tpu.dma_semaphore, #tpu.memory_space<semaphore_mem>>) src(%arg18 : memref<80xf32, #tpu.memory_space<vmem>>) dst(%dma_wait3A_171 : memref<64xf32, #tpu.memory_space<vmem_shared>>)
    } else {
    }
    %add3A_71 = arith.constant 96 : i32
    %add3A_72 = arith.addi %add3A, %add3A_71 : i32
    %lt3A_73 = arith.constant 140 : i32
    %lt3A_74 = arith.cmpi slt, %add3A_72, %lt3A_73 : i32
    %convert_element_type3A_75 = arith.extui %lt3A_74 : i1 to i32
    %cond3A_76 = arith.constant 0 : i32
    %cond3A_77 = arith.cmpi ne, %convert_element_type3A_75, %cond3A_76 : i32
    scf.if %cond3A_77 {
      %add3A_133 = arith.constant 96 : i32
      %add3A_134 = arith.addi %add3A, %add3A_133 : i32
      %mul3A_135 = arith.constant 400 : i32
      %mul3A_136 = arith.muli %add3A_134, %mul3A_135 : i32
      %add3A_137 = arith.constant 0 : i32
      %add3A_138 = arith.addi %mul3A_136, %add3A_137 : i32
      %add3A_139 = arith.constant 80 : i32
      %add3A_140 = arith.addi %mul3A_136, %add3A_139 : i32
      %add3A_141 = arith.constant 160 : i32
      %add3A_142 = arith.addi %mul3A_136, %add3A_141 : i32
      %add3A_143 = arith.constant 240 : i32
      %add3A_144 = arith.addi %mul3A_136, %add3A_143 : i32
      %add3A_145 = arith.constant 320 : i32
      %add3A_146 = arith.addi %mul3A_136, %add3A_145 : i32
      %dma_start3A = arith.constant 0 : i32
      %dma_start3A_147 = tpu.memref_slice %arg2[%mul3A_136, %dma_start3A] : memref<100000x128xf32, #tpu.memory_space<hbm>> -> memref<400x128xf32, #tpu.memory_space<hbm>>
      %dma_start3A_148 = arith.constant 0 : i32
      %dma_start3A_149 = tpu.memref_slice %arg2[%mul3A_136, %dma_start3A_148] : memref<100000x128xf32, #tpu.memory_space<hbm>> -> memref<400x128xf32, #tpu.memory_space<hbm>>
      tpu.enqueue_dma source(%dma_start3A_149 : memref<400x128xf32, #tpu.memory_space<hbm>>) target(%arg7 : memref<400x128xf32, #tpu.memory_space<vmem>>) target_semaphore(%arg24 : memref<!tpu.dma_semaphore, #tpu.memory_space<semaphore_mem>>)
      %dma_start3A_150 = tpu.memref_slice %arg3[%add3A_138] : memref<100000xi32, #tpu.memory_space<hbm>> -> memref<80xi32, #tpu.memory_space<hbm>>
      %dma_start3A_151 = tpu.memref_slice %arg3[%add3A_138] : memref<100000xi32, #tpu.memory_space<hbm>> -> memref<80xi32, #tpu.memory_space<hbm>>
      tpu.enqueue_dma source(%dma_start3A_151 : memref<80xi32, #tpu.memory_space<hbm>>) target(%arg13 : memref<80xi32, #tpu.memory_space<vmem>>) target_semaphore(%arg24 : memref<!tpu.dma_semaphore, #tpu.memory_space<semaphore_mem>>)
      %dma_start3A_152 = tpu.memref_slice %arg3[%add3A_140] : memref<100000xi32, #tpu.memory_space<hbm>> -> memref<80xi32, #tpu.memory_space<hbm>>
      %dma_start3A_153 = tpu.memref_slice %arg3[%add3A_140] : memref<100000xi32, #tpu.memory_space<hbm>> -> memref<80xi32, #tpu.memory_space<hbm>>
      tpu.enqueue_dma source(%dma_start3A_153 : memref<80xi32, #tpu.memory_space<hbm>>) target(%arg14 : memref<80xi32, #tpu.memory_space<vmem>>) target_semaphore(%arg24 : memref<!tpu.dma_semaphore, #tpu.memory_space<semaphore_mem>>)
      %dma_start3A_154 = tpu.memref_slice %arg3[%add3A_142] : memref<100000xi32, #tpu.memory_space<hbm>> -> memref<80xi32, #tpu.memory_space<hbm>>
      %dma_start3A_155 = tpu.memref_slice %arg3[%add3A_142] : memref<100000xi32, #tpu.memory_space<hbm>> -> memref<80xi32, #tpu.memory_space<hbm>>
      tpu.enqueue_dma source(%dma_start3A_155 : memref<80xi32, #tpu.memory_space<hbm>>) target(%arg15 : memref<80xi32, #tpu.memory_space<vmem>>) target_semaphore(%arg24 : memref<!tpu.dma_semaphore, #tpu.memory_space<semaphore_mem>>)
      %dma_start3A_156 = tpu.memref_slice %arg3[%add3A_144] : memref<100000xi32, #tpu.memory_space<hbm>> -> memref<80xi32, #tpu.memory_space<hbm>>
      %dma_start3A_157 = tpu.memref_slice %arg3[%add3A_144] : memref<100000xi32, #tpu.memory_space<hbm>> -> memref<80xi32, #tpu.memory_space<hbm>>
      tpu.enqueue_dma source(%dma_start3A_157 : memref<80xi32, #tpu.memory_space<hbm>>) target(%arg16 : memref<80xi32, #tpu.memory_space<vmem>>) target_semaphore(%arg24 : memref<!tpu.dma_semaphore, #tpu.memory_space<semaphore_mem>>)
      %dma_start3A_158 = tpu.memref_slice %arg3[%add3A_146] : memref<100000xi32, #tpu.memory_space<hbm>> -> memref<80xi32, #tpu.memory_space<hbm>>
      %dma_start3A_159 = tpu.memref_slice %arg3[%add3A_146] : memref<100000xi32, #tpu.memory_space<hbm>> -> memref<80xi32, #tpu.memory_space<hbm>>
      tpu.enqueue_dma source(%dma_start3A_159 : memref<80xi32, #tpu.memory_space<hbm>>) target(%arg17 : memref<80xi32, #tpu.memory_space<vmem>>) target_semaphore(%arg24 : memref<!tpu.dma_semaphore, #tpu.memory_space<semaphore_mem>>)
    } else {
    }
    %add3A_78 = arith.constant 64 : i32
    %add3A_79 = arith.addi %add3A, %add3A_78 : i32
    %lt3A_80 = arith.constant 140 : i32
    %lt3A_81 = arith.cmpi slt, %add3A_79, %lt3A_80 : i32
    %convert_element_type3A_82 = arith.extui %lt3A_81 : i1 to i32
    %cond3A_83 = arith.constant 0 : i32
    %cond3A_84 = arith.cmpi ne, %convert_element_type3A_82, %cond3A_83 : i32
    scf.if %cond3A_84 {
      %add3A_133 = arith.constant 64 : i32
      %add3A_134 = arith.addi %add3A, %add3A_133 : i32
      %mul3A_135 = arith.constant 400 : i32
      %mul3A_136 = arith.muli %add3A_134, %mul3A_135 : i32
      %add3A_137 = arith.constant 0 : i32
      %add3A_138 = arith.addi %mul3A_136, %add3A_137 : i32
      %add3A_139 = arith.constant 80 : i32
      %add3A_140 = arith.addi %mul3A_136, %add3A_139 : i32
      %add3A_141 = arith.constant 160 : i32
      %add3A_142 = arith.addi %mul3A_136, %add3A_141 : i32
      %add3A_143 = arith.constant 240 : i32
      %add3A_144 = arith.addi %mul3A_136, %add3A_143 : i32
      %add3A_145 = arith.constant 320 : i32
      %add3A_146 = arith.addi %mul3A_136, %add3A_145 : i32
      %dma_wait3A = arith.constant 0 : i32
      %dma_wait3A_147 = tpu.memref_slice %arg2[%mul3A_136, %dma_wait3A] : memref<100000x128xf32, #tpu.memory_space<hbm>> -> memref<400x128xf32, #tpu.memory_space<hbm>>
      %dma_wait3A_148 = arith.constant 0 : i32
      %dma_wait3A_149 = tpu.memref_slice %arg2[%mul3A_136, %dma_wait3A_148] : memref<100000x128xf32, #tpu.memory_space<hbm>> -> memref<400x128xf32, #tpu.memory_space<hbm>>
      tpu.wait_dma2 semaphore(%arg23 : memref<!tpu.dma_semaphore, #tpu.memory_space<semaphore_mem>>) src(%dma_wait3A_149 : memref<400x128xf32, #tpu.memory_space<hbm>>) dst(%arg6 : memref<400x128xf32, #tpu.memory_space<vmem>>)
      %dma_wait3A_150 = tpu.memref_slice %arg3[%add3A_138] : memref<100000xi32, #tpu.memory_space<hbm>> -> memref<80xi32, #tpu.memory_space<hbm>>
      %dma_wait3A_151 = tpu.memref_slice %arg3[%add3A_138] : memref<100000xi32, #tpu.memory_space<hbm>> -> memref<80xi32, #tpu.memory_space<hbm>>
      tpu.wait_dma2 semaphore(%arg23 : memref<!tpu.dma_semaphore, #tpu.memory_space<semaphore_mem>>) src(%dma_wait3A_151 : memref<80xi32, #tpu.memory_space<hbm>>) dst(%arg8 : memref<80xi32, #tpu.memory_space<vmem>>)
      %dma_wait3A_152 = tpu.memref_slice %arg3[%add3A_140] : memref<100000xi32, #tpu.memory_space<hbm>> -> memref<80xi32, #tpu.memory_space<hbm>>
      %dma_wait3A_153 = tpu.memref_slice %arg3[%add3A_140] : memref<100000xi32, #tpu.memory_space<hbm>> -> memref<80xi32, #tpu.memory_space<hbm>>
      tpu.wait_dma2 semaphore(%arg23 : memref<!tpu.dma_semaphore, #tpu.memory_space<semaphore_mem>>) src(%dma_wait3A_153 : memref<80xi32, #tpu.memory_space<hbm>>) dst(%arg9 : memref<80xi32, #tpu.memory_space<vmem>>)
      %dma_wait3A_154 = tpu.memref_slice %arg3[%add3A_142] : memref<100000xi32, #tpu.memory_space<hbm>> -> memref<80xi32, #tpu.memory_space<hbm>>
      %dma_wait3A_155 = tpu.memref_slice %arg3[%add3A_142] : memref<100000xi32, #tpu.memory_space<hbm>> -> memref<80xi32, #tpu.memory_space<hbm>>
      tpu.wait_dma2 semaphore(%arg23 : memref<!tpu.dma_semaphore, #tpu.memory_space<semaphore_mem>>) src(%dma_wait3A_155 : memref<80xi32, #tpu.memory_space<hbm>>) dst(%arg10 : memref<80xi32, #tpu.memory_space<vmem>>)
      %dma_wait3A_156 = tpu.memref_slice %arg3[%add3A_144] : memref<100000xi32, #tpu.memory_space<hbm>> -> memref<80xi32, #tpu.memory_space<hbm>>
      %dma_wait3A_157 = tpu.memref_slice %arg3[%add3A_144] : memref<100000xi32, #tpu.memory_space<hbm>> -> memref<80xi32, #tpu.memory_space<hbm>>
      tpu.wait_dma2 semaphore(%arg23 : memref<!tpu.dma_semaphore, #tpu.memory_space<semaphore_mem>>) src(%dma_wait3A_157 : memref<80xi32, #tpu.memory_space<hbm>>) dst(%arg11 : memref<80xi32, #tpu.memory_space<vmem>>)
      %dma_wait3A_158 = tpu.memref_slice %arg3[%add3A_146] : memref<100000xi32, #tpu.memory_space<hbm>> -> memref<80xi32, #tpu.memory_space<hbm>>
      %dma_wait3A_159 = tpu.memref_slice %arg3[%add3A_146] : memref<100000xi32, #tpu.memory_space<hbm>> -> memref<80xi32, #tpu.memory_space<hbm>>
      tpu.wait_dma2 semaphore(%arg23 : memref<!tpu.dma_semaphore, #tpu.memory_space<semaphore_mem>>) src(%dma_wait3A_159 : memref<80xi32, #tpu.memory_space<hbm>>) dst(%arg12 : memref<80xi32, #tpu.memory_space<vmem>>)
      %dma_start3A = arith.constant 0 : i32
      %dma_start3A_160 = arith.constant 0 : i32
      %dma_start3A_161 = tpu.memref_slice %arg6[%dma_start3A, %dma_start3A_160] : memref<400x128xf32, #tpu.memory_space<vmem>> -> memref<80x128xf32, #tpu.memory_space<vmem>>
      %dma_start3A_162 = arith.constant 0 : i32
      %dma_start3A_163 = arith.constant 0 : i32
      %dma_start3A_164 = tpu.memref_slice %arg21[%dma_start3A_162, %dma_start3A_163] : memref<64x128xf32, #tpu.memory_space<vmem_shared>> -> memref<64x128xf32, #tpu.memory_space<vmem_shared>>
      tpu.enqueue_indirect_dma source(%dma_start3A_161 : memref<80x128xf32, #tpu.memory_space<vmem>>) target(%dma_start3A_164 : memref<64x128xf32, #tpu.memory_space<vmem_shared>>) offsets(%arg8 : memref<80xi32, #tpu.memory_space<vmem>>) semaphore(%arg25 : memref<!tpu.dma_semaphore, #tpu.memory_space<semaphore_mem>>) {add = true}
      %dma_start3A_165 = arith.constant 0 : i32
      %dma_start3A_166 = tpu.memref_slice %arg22[%dma_start3A_165] : memref<64xf32, #tpu.memory_space<vmem_shared>> -> memref<64xf32, #tpu.memory_space<vmem_shared>>
      tpu.enqueue_indirect_dma source(%arg18 : memref<80xf32, #tpu.memory_space<vmem>>) target(%dma_start3A_166 : memref<64xf32, #tpu.memory_space<vmem_shared>>) offsets(%arg8 : memref<80xi32, #tpu.memory_space<vmem>>) semaphore(%arg25 : memref<!tpu.dma_semaphore, #tpu.memory_space<semaphore_mem>>) {add = true}
      %dma_start3A_167 = arith.constant 80 : i32
      %dma_start3A_168 = arith.constant 0 : i32
      %dma_start3A_169 = tpu.memref_slice %arg6[%dma_start3A_167, %dma_start3A_168] : memref<400x128xf32, #tpu.memory_space<vmem>> -> memref<80x128xf32, #tpu.memory_space<vmem>>
      %dma_start3A_170 = arith.constant 0 : i32
      %dma_start3A_171 = arith.constant 0 : i32
      %dma_start3A_172 = tpu.memref_slice %arg21[%dma_start3A_170, %dma_start3A_171] : memref<64x128xf32, #tpu.memory_space<vmem_shared>> -> memref<64x128xf32, #tpu.memory_space<vmem_shared>>
      tpu.enqueue_indirect_dma source(%dma_start3A_169 : memref<80x128xf32, #tpu.memory_space<vmem>>) target(%dma_start3A_172 : memref<64x128xf32, #tpu.memory_space<vmem_shared>>) offsets(%arg9 : memref<80xi32, #tpu.memory_space<vmem>>) semaphore(%arg25 : memref<!tpu.dma_semaphore, #tpu.memory_space<semaphore_mem>>) {add = true}
      %dma_start3A_173 = arith.constant 0 : i32
      %dma_start3A_174 = tpu.memref_slice %arg22[%dma_start3A_173] : memref<64xf32, #tpu.memory_space<vmem_shared>> -> memref<64xf32, #tpu.memory_space<vmem_shared>>
      tpu.enqueue_indirect_dma source(%arg18 : memref<80xf32, #tpu.memory_space<vmem>>) target(%dma_start3A_174 : memref<64xf32, #tpu.memory_space<vmem_shared>>) offsets(%arg9 : memref<80xi32, #tpu.memory_space<vmem>>) semaphore(%arg25 : memref<!tpu.dma_semaphore, #tpu.memory_space<semaphore_mem>>) {add = true}
      %dma_start3A_175 = arith.constant 160 : i32
      %dma_start3A_176 = arith.constant 0 : i32
      %dma_start3A_177 = tpu.memref_slice %arg6[%dma_start3A_175, %dma_start3A_176] : memref<400x128xf32, #tpu.memory_space<vmem>> -> memref<80x128xf32, #tpu.memory_space<vmem>>
      %dma_start3A_178 = arith.constant 0 : i32
      %dma_start3A_179 = arith.constant 0 : i32
      %dma_start3A_180 = tpu.memref_slice %arg21[%dma_start3A_178, %dma_start3A_179] : memref<64x128xf32, #tpu.memory_space<vmem_shared>> -> memref<64x128xf32, #tpu.memory_space<vmem_shared>>
      tpu.enqueue_indirect_dma source(%dma_start3A_177 : memref<80x128xf32, #tpu.memory_space<vmem>>) target(%dma_start3A_180 : memref<64x128xf32, #tpu.memory_space<vmem_shared>>) offsets(%arg10 : memref<80xi32, #tpu.memory_space<vmem>>) semaphore(%arg25 : memref<!tpu.dma_semaphore, #tpu.memory_space<semaphore_mem>>) {add = true}
      %dma_start3A_181 = arith.constant 0 : i32
      %dma_start3A_182 = tpu.memref_slice %arg22[%dma_start3A_181] : memref<64xf32, #tpu.memory_space<vmem_shared>> -> memref<64xf32, #tpu.memory_space<vmem_shared>>
      tpu.enqueue_indirect_dma source(%arg18 : memref<80xf32, #tpu.memory_space<vmem>>) target(%dma_start3A_182 : memref<64xf32, #tpu.memory_space<vmem_shared>>) offsets(%arg10 : memref<80xi32, #tpu.memory_space<vmem>>) semaphore(%arg25 : memref<!tpu.dma_semaphore, #tpu.memory_space<semaphore_mem>>) {add = true}
      %dma_start3A_183 = arith.constant 240 : i32
      %dma_start3A_184 = arith.constant 0 : i32
      %dma_start3A_185 = tpu.memref_slice %arg6[%dma_start3A_183, %dma_start3A_184] : memref<400x128xf32, #tpu.memory_space<vmem>> -> memref<80x128xf32, #tpu.memory_space<vmem>>
      %dma_start3A_186 = arith.constant 0 : i32
      %dma_start3A_187 = arith.constant 0 : i32
      %dma_start3A_188 = tpu.memref_slice %arg21[%dma_start3A_186, %dma_start3A_187] : memref<64x128xf32, #tpu.memory_space<vmem_shared>> -> memref<64x128xf32, #tpu.memory_space<vmem_shared>>
      tpu.enqueue_indirect_dma source(%dma_start3A_185 : memref<80x128xf32, #tpu.memory_space<vmem>>) target(%dma_start3A_188 : memref<64x128xf32, #tpu.memory_space<vmem_shared>>) offsets(%arg11 : memref<80xi32, #tpu.memory_space<vmem>>) semaphore(%arg25 : memref<!tpu.dma_semaphore, #tpu.memory_space<semaphore_mem>>) {add = true}
      %dma_start3A_189 = arith.constant 0 : i32
      %dma_start3A_190 = tpu.memref_slice %arg22[%dma_start3A_189] : memref<64xf32, #tpu.memory_space<vmem_shared>> -> memref<64xf32, #tpu.memory_space<vmem_shared>>
      tpu.enqueue_indirect_dma source(%arg18 : memref<80xf32, #tpu.memory_space<vmem>>) target(%dma_start3A_190 : memref<64xf32, #tpu.memory_space<vmem_shared>>) offsets(%arg11 : memref<80xi32, #tpu.memory_space<vmem>>) semaphore(%arg25 : memref<!tpu.dma_semaphore, #tpu.memory_space<semaphore_mem>>) {add = true}
      %dma_start3A_191 = arith.constant 320 : i32
      %dma_start3A_192 = arith.constant 0 : i32
      %dma_start3A_193 = tpu.memref_slice %arg6[%dma_start3A_191, %dma_start3A_192] : memref<400x128xf32, #tpu.memory_space<vmem>> -> memref<80x128xf32, #tpu.memory_space<vmem>>
      %dma_start3A_194 = arith.constant 0 : i32
      %dma_start3A_195 = arith.constant 0 : i32
      %dma_start3A_196 = tpu.memref_slice %arg21[%dma_start3A_194, %dma_start3A_195] : memref<64x128xf32, #tpu.memory_space<vmem_shared>> -> memref<64x128xf32, #tpu.memory_space<vmem_shared>>
      tpu.enqueue_indirect_dma source(%dma_start3A_193 : memref<80x128xf32, #tpu.memory_space<vmem>>) target(%dma_start3A_196 : memref<64x128xf32, #tpu.memory_space<vmem_shared>>) offsets(%arg12 : memref<80xi32, #tpu.memory_space<vmem>>) semaphore(%arg25 : memref<!tpu.dma_semaphore, #tpu.memory_space<semaphore_mem>>) {add = true}
      %dma_start3A_197 = arith.constant 0 : i32
      %dma_start3A_198 = tpu.memref_slice %arg22[%dma_start3A_197] : memref<64xf32, #tpu.memory_space<vmem_shared>> -> memref<64xf32, #tpu.memory_space<vmem_shared>>
      tpu.enqueue_indirect_dma source(%arg18 : memref<80xf32, #tpu.memory_space<vmem>>) target(%dma_start3A_198 : memref<64xf32, #tpu.memory_space<vmem_shared>>) offsets(%arg12 : memref<80xi32, #tpu.memory_space<vmem>>) semaphore(%arg25 : memref<!tpu.dma_semaphore, #tpu.memory_space<semaphore_mem>>) {add = true}
    } else {
    }
    %add3A_85 = arith.constant 64 : i32
    %add3A_86 = arith.addi %add3A, %add3A_85 : i32
    %lt3A_87 = arith.constant 140 : i32
    %lt3A_88 = arith.cmpi slt, %add3A_86, %lt3A_87 : i32
    %convert_element_type3A_89 = arith.extui %lt3A_88 : i1 to i32
    %cond3A_90 = arith.constant 0 : i32
    %cond3A_91 = arith.cmpi ne, %convert_element_type3A_89, %cond3A_90 : i32
    scf.if %cond3A_91 {
      %dma_wait3A = arith.constant 0 : i32
      %dma_wait3A_133 = arith.constant 0 : i32
      %dma_wait3A_134 = tpu.memref_slice %arg6[%dma_wait3A, %dma_wait3A_133] : memref<400x128xf32, #tpu.memory_space<vmem>> -> memref<80x128xf32, #tpu.memory_space<vmem>>
      %dma_wait3A_135 = arith.constant 0 : i32
      %dma_wait3A_136 = arith.constant 0 : i32
      %dma_wait3A_137 = tpu.memref_slice %arg21[%dma_wait3A_135, %dma_wait3A_136] : memref<64x128xf32, #tpu.memory_space<vmem_shared>> -> memref<64x128xf32, #tpu.memory_space<vmem_shared>>
      tpu.wait_indirect_dma semaphore(%arg25 : memref<!tpu.dma_semaphore, #tpu.memory_space<semaphore_mem>>) src(%dma_wait3A_134 : memref<80x128xf32, #tpu.memory_space<vmem>>) dst(%dma_wait3A_137 : memref<64x128xf32, #tpu.memory_space<vmem_shared>>)
      %dma_wait3A_138 = arith.constant 0 : i32
      %dma_wait3A_139 = tpu.memref_slice %arg22[%dma_wait3A_138] : memref<64xf32, #tpu.memory_space<vmem_shared>> -> memref<64xf32, #tpu.memory_space<vmem_shared>>
      tpu.wait_indirect_dma semaphore(%arg25 : memref<!tpu.dma_semaphore, #tpu.memory_space<semaphore_mem>>) src(%arg18 : memref<80xf32, #tpu.memory_space<vmem>>) dst(%dma_wait3A_139 : memref<64xf32, #tpu.memory_space<vmem_shared>>)
      %dma_wait3A_140 = arith.constant 80 : i32
      %dma_wait3A_141 = arith.constant 0 : i32
      %dma_wait3A_142 = tpu.memref_slice %arg6[%dma_wait3A_140, %dma_wait3A_141] : memref<400x128xf32, #tpu.memory_space<vmem>> -> memref<80x128xf32, #tpu.memory_space<vmem>>
      %dma_wait3A_143 = arith.constant 0 : i32
      %dma_wait3A_144 = arith.constant 0 : i32
      %dma_wait3A_145 = tpu.memref_slice %arg21[%dma_wait3A_143, %dma_wait3A_144] : memref<64x128xf32, #tpu.memory_space<vmem_shared>> -> memref<64x128xf32, #tpu.memory_space<vmem_shared>>
      tpu.wait_indirect_dma semaphore(%arg25 : memref<!tpu.dma_semaphore, #tpu.memory_space<semaphore_mem>>) src(%dma_wait3A_142 : memref<80x128xf32, #tpu.memory_space<vmem>>) dst(%dma_wait3A_145 : memref<64x128xf32, #tpu.memory_space<vmem_shared>>)
      %dma_wait3A_146 = arith.constant 0 : i32
      %dma_wait3A_147 = tpu.memref_slice %arg22[%dma_wait3A_146] : memref<64xf32, #tpu.memory_space<vmem_shared>> -> memref<64xf32, #tpu.memory_space<vmem_shared>>
      tpu.wait_indirect_dma semaphore(%arg25 : memref<!tpu.dma_semaphore, #tpu.memory_space<semaphore_mem>>) src(%arg18 : memref<80xf32, #tpu.memory_space<vmem>>) dst(%dma_wait3A_147 : memref<64xf32, #tpu.memory_space<vmem_shared>>)
      %dma_wait3A_148 = arith.constant 160 : i32
      %dma_wait3A_149 = arith.constant 0 : i32
      %dma_wait3A_150 = tpu.memref_slice %arg6[%dma_wait3A_148, %dma_wait3A_149] : memref<400x128xf32, #tpu.memory_space<vmem>> -> memref<80x128xf32, #tpu.memory_space<vmem>>
      %dma_wait3A_151 = arith.constant 0 : i32
      %dma_wait3A_152 = arith.constant 0 : i32
      %dma_wait3A_153 = tpu.memref_slice %arg21[%dma_wait3A_151, %dma_wait3A_152] : memref<64x128xf32, #tpu.memory_space<vmem_shared>> -> memref<64x128xf32, #tpu.memory_space<vmem_shared>>
      tpu.wait_indirect_dma semaphore(%arg25 : memref<!tpu.dma_semaphore, #tpu.memory_space<semaphore_mem>>) src(%dma_wait3A_150 : memref<80x128xf32, #tpu.memory_space<vmem>>) dst(%dma_wait3A_153 : memref<64x128xf32, #tpu.memory_space<vmem_shared>>)
      %dma_wait3A_154 = arith.constant 0 : i32
      %dma_wait3A_155 = tpu.memref_slice %arg22[%dma_wait3A_154] : memref<64xf32, #tpu.memory_space<vmem_shared>> -> memref<64xf32, #tpu.memory_space<vmem_shared>>
      tpu.wait_indirect_dma semaphore(%arg25 : memref<!tpu.dma_semaphore, #tpu.memory_space<semaphore_mem>>) src(%arg18 : memref<80xf32, #tpu.memory_space<vmem>>) dst(%dma_wait3A_155 : memref<64xf32, #tpu.memory_space<vmem_shared>>)
      %dma_wait3A_156 = arith.constant 240 : i32
      %dma_wait3A_157 = arith.constant 0 : i32
      %dma_wait3A_158 = tpu.memref_slice %arg6[%dma_wait3A_156, %dma_wait3A_157] : memref<400x128xf32, #tpu.memory_space<vmem>> -> memref<80x128xf32, #tpu.memory_space<vmem>>
      %dma_wait3A_159 = arith.constant 0 : i32
      %dma_wait3A_160 = arith.constant 0 : i32
      %dma_wait3A_161 = tpu.memref_slice %arg21[%dma_wait3A_159, %dma_wait3A_160] : memref<64x128xf32, #tpu.memory_space<vmem_shared>> -> memref<64x128xf32, #tpu.memory_space<vmem_shared>>
      tpu.wait_indirect_dma semaphore(%arg25 : memref<!tpu.dma_semaphore, #tpu.memory_space<semaphore_mem>>) src(%dma_wait3A_158 : memref<80x128xf32, #tpu.memory_space<vmem>>) dst(%dma_wait3A_161 : memref<64x128xf32, #tpu.memory_space<vmem_shared>>)
      %dma_wait3A_162 = arith.constant 0 : i32
      %dma_wait3A_163 = tpu.memref_slice %arg22[%dma_wait3A_162] : memref<64xf32, #tpu.memory_space<vmem_shared>> -> memref<64xf32, #tpu.memory_space<vmem_shared>>
      tpu.wait_indirect_dma semaphore(%arg25 : memref<!tpu.dma_semaphore, #tpu.memory_space<semaphore_mem>>) src(%arg18 : memref<80xf32, #tpu.memory_space<vmem>>) dst(%dma_wait3A_163 : memref<64xf32, #tpu.memory_space<vmem_shared>>)
      %dma_wait3A_164 = arith.constant 320 : i32
      %dma_wait3A_165 = arith.constant 0 : i32
      %dma_wait3A_166 = tpu.memref_slice %arg6[%dma_wait3A_164, %dma_wait3A_165] : memref<400x128xf32, #tpu.memory_space<vmem>> -> memref<80x128xf32, #tpu.memory_space<vmem>>
      %dma_wait3A_167 = arith.constant 0 : i32
      %dma_wait3A_168 = arith.constant 0 : i32
      %dma_wait3A_169 = tpu.memref_slice %arg21[%dma_wait3A_167, %dma_wait3A_168] : memref<64x128xf32, #tpu.memory_space<vmem_shared>> -> memref<64x128xf32, #tpu.memory_space<vmem_shared>>
      tpu.wait_indirect_dma semaphore(%arg25 : memref<!tpu.dma_semaphore, #tpu.memory_space<semaphore_mem>>) src(%dma_wait3A_166 : memref<80x128xf32, #tpu.memory_space<vmem>>) dst(%dma_wait3A_169 : memref<64x128xf32, #tpu.memory_space<vmem_shared>>)
      %dma_wait3A_170 = arith.constant 0 : i32
      %dma_wait3A_171 = tpu.memref_slice %arg22[%dma_wait3A_170] : memref<64xf32, #tpu.memory_space<vmem_shared>> -> memref<64xf32, #tpu.memory_space<vmem_shared>>
      tpu.wait_indirect_dma semaphore(%arg25 : memref<!tpu.dma_semaphore, #tpu.memory_space<semaphore_mem>>) src(%arg18 : memref<80xf32, #tpu.memory_space<vmem>>) dst(%dma_wait3A_171 : memref<64xf32, #tpu.memory_space<vmem_shared>>)
    } else {
    }
    %add3A_92 = arith.constant 128 : i32
    %add3A_93 = arith.addi %add3A, %add3A_92 : i32
    %lt3A_94 = arith.constant 140 : i32
    %lt3A_95 = arith.cmpi slt, %add3A_93, %lt3A_94 : i32
    %convert_element_type3A_96 = arith.extui %lt3A_95 : i1 to i32
    %cond3A_97 = arith.constant 0 : i32
    %cond3A_98 = arith.cmpi ne, %convert_element_type3A_96, %cond3A_97 : i32
    scf.if %cond3A_98 {
      %add3A_133 = arith.constant 128 : i32
      %add3A_134 = arith.addi %add3A, %add3A_133 : i32
      %mul3A_135 = arith.constant 400 : i32
      %mul3A_136 = arith.muli %add3A_134, %mul3A_135 : i32
      %add3A_137 = arith.constant 0 : i32
      %add3A_138 = arith.addi %mul3A_136, %add3A_137 : i32
      %add3A_139 = arith.constant 80 : i32
      %add3A_140 = arith.addi %mul3A_136, %add3A_139 : i32
      %add3A_141 = arith.constant 160 : i32
      %add3A_142 = arith.addi %mul3A_136, %add3A_141 : i32
      %add3A_143 = arith.constant 240 : i32
      %add3A_144 = arith.addi %mul3A_136, %add3A_143 : i32
      %add3A_145 = arith.constant 320 : i32
      %add3A_146 = arith.addi %mul3A_136, %add3A_145 : i32
      %dma_start3A = arith.constant 0 : i32
      %dma_start3A_147 = tpu.memref_slice %arg2[%mul3A_136, %dma_start3A] : memref<100000x128xf32, #tpu.memory_space<hbm>> -> memref<400x128xf32, #tpu.memory_space<hbm>>
      %dma_start3A_148 = arith.constant 0 : i32
      %dma_start3A_149 = tpu.memref_slice %arg2[%mul3A_136, %dma_start3A_148] : memref<100000x128xf32, #tpu.memory_space<hbm>> -> memref<400x128xf32, #tpu.memory_space<hbm>>
      tpu.enqueue_dma source(%dma_start3A_149 : memref<400x128xf32, #tpu.memory_space<hbm>>) target(%arg6 : memref<400x128xf32, #tpu.memory_space<vmem>>) target_semaphore(%arg23 : memref<!tpu.dma_semaphore, #tpu.memory_space<semaphore_mem>>)
      %dma_start3A_150 = tpu.memref_slice %arg3[%add3A_138] : memref<100000xi32, #tpu.memory_space<hbm>> -> memref<80xi32, #tpu.memory_space<hbm>>
      %dma_start3A_151 = tpu.memref_slice %arg3[%add3A_138] : memref<100000xi32, #tpu.memory_space<hbm>> -> memref<80xi32, #tpu.memory_space<hbm>>
      tpu.enqueue_dma source(%dma_start3A_151 : memref<80xi32, #tpu.memory_space<hbm>>) target(%arg8 : memref<80xi32, #tpu.memory_space<vmem>>) target_semaphore(%arg23 : memref<!tpu.dma_semaphore, #tpu.memory_space<semaphore_mem>>)
      %dma_start3A_152 = tpu.memref_slice %arg3[%add3A_140] : memref<100000xi32, #tpu.memory_space<hbm>> -> memref<80xi32, #tpu.memory_space<hbm>>
      %dma_start3A_153 = tpu.memref_slice %arg3[%add3A_140] : memref<100000xi32, #tpu.memory_space<hbm>> -> memref<80xi32, #tpu.memory_space<hbm>>
      tpu.enqueue_dma source(%dma_start3A_153 : memref<80xi32, #tpu.memory_space<hbm>>) target(%arg9 : memref<80xi32, #tpu.memory_space<vmem>>) target_semaphore(%arg23 : memref<!tpu.dma_semaphore, #tpu.memory_space<semaphore_mem>>)
      %dma_start3A_154 = tpu.memref_slice %arg3[%add3A_142] : memref<100000xi32, #tpu.memory_space<hbm>> -> memref<80xi32, #tpu.memory_space<hbm>>
      %dma_start3A_155 = tpu.memref_slice %arg3[%add3A_142] : memref<100000xi32, #tpu.memory_space<hbm>> -> memref<80xi32, #tpu.memory_space<hbm>>
      tpu.enqueue_dma source(%dma_start3A_155 : memref<80xi32, #tpu.memory_space<hbm>>) target(%arg10 : memref<80xi32, #tpu.memory_space<vmem>>) target_semaphore(%arg23 : memref<!tpu.dma_semaphore, #tpu.memory_space<semaphore_mem>>)
      %dma_start3A_156 = tpu.memref_slice %arg3[%add3A_144] : memref<100000xi32, #tpu.memory_space<hbm>> -> memref<80xi32, #tpu.memory_space<hbm>>
      %dma_start3A_157 = tpu.memref_slice %arg3[%add3A_144] : memref<100000xi32, #tpu.memory_space<hbm>> -> memref<80xi32, #tpu.memory_space<hbm>>
      tpu.enqueue_dma source(%dma_start3A_157 : memref<80xi32, #tpu.memory_space<hbm>>) target(%arg11 : memref<80xi32, #tpu.memory_space<vmem>>) target_semaphore(%arg23 : memref<!tpu.dma_semaphore, #tpu.memory_space<semaphore_mem>>)
      %dma_start3A_158 = tpu.memref_slice %arg3[%add3A_146] : memref<100000xi32, #tpu.memory_space<hbm>> -> memref<80xi32, #tpu.memory_space<hbm>>
      %dma_start3A_159 = tpu.memref_slice %arg3[%add3A_146] : memref<100000xi32, #tpu.memory_space<hbm>> -> memref<80xi32, #tpu.memory_space<hbm>>
      tpu.enqueue_dma source(%dma_start3A_159 : memref<80xi32, #tpu.memory_space<hbm>>) target(%arg12 : memref<80xi32, #tpu.memory_space<vmem>>) target_semaphore(%arg23 : memref<!tpu.dma_semaphore, #tpu.memory_space<semaphore_mem>>)
    } else {
    }
    %add3A_99 = arith.constant 96 : i32
    %add3A_100 = arith.addi %add3A, %add3A_99 : i32
    %lt3A_101 = arith.constant 140 : i32
    %lt3A_102 = arith.cmpi slt, %add3A_100, %lt3A_101 : i32
    %convert_element_type3A_103 = arith.extui %lt3A_102 : i1 to i32
    %cond3A_104 = arith.constant 0 : i32
    %cond3A_105 = arith.cmpi ne, %convert_element_type3A_103, %cond3A_104 : i32
    scf.if %cond3A_105 {
      %add3A_133 = arith.constant 96 : i32
      %add3A_134 = arith.addi %add3A, %add3A_133 : i32
      %mul3A_135 = arith.constant 400 : i32
      %mul3A_136 = arith.muli %add3A_134, %mul3A_135 : i32
      %add3A_137 = arith.constant 0 : i32
      %add3A_138 = arith.addi %mul3A_136, %add3A_137 : i32
      %add3A_139 = arith.constant 80 : i32
      %add3A_140 = arith.addi %mul3A_136, %add3A_139 : i32
      %add3A_141 = arith.constant 160 : i32
      %add3A_142 = arith.addi %mul3A_136, %add3A_141 : i32
      %add3A_143 = arith.constant 240 : i32
      %add3A_144 = arith.addi %mul3A_136, %add3A_143 : i32
      %add3A_145 = arith.constant 320 : i32
      %add3A_146 = arith.addi %mul3A_136, %add3A_145 : i32
      %dma_wait3A = arith.constant 0 : i32
      %dma_wait3A_147 = tpu.memref_slice %arg2[%mul3A_136, %dma_wait3A] : memref<100000x128xf32, #tpu.memory_space<hbm>> -> memref<400x128xf32, #tpu.memory_space<hbm>>
      %dma_wait3A_148 = arith.constant 0 : i32
      %dma_wait3A_149 = tpu.memref_slice %arg2[%mul3A_136, %dma_wait3A_148] : memref<100000x128xf32, #tpu.memory_space<hbm>> -> memref<400x128xf32, #tpu.memory_space<hbm>>
      tpu.wait_dma2 semaphore(%arg24 : memref<!tpu.dma_semaphore, #tpu.memory_space<semaphore_mem>>) src(%dma_wait3A_149 : memref<400x128xf32, #tpu.memory_space<hbm>>) dst(%arg7 : memref<400x128xf32, #tpu.memory_space<vmem>>)
      %dma_wait3A_150 = tpu.memref_slice %arg3[%add3A_138] : memref<100000xi32, #tpu.memory_space<hbm>> -> memref<80xi32, #tpu.memory_space<hbm>>
      %dma_wait3A_151 = tpu.memref_slice %arg3[%add3A_138] : memref<100000xi32, #tpu.memory_space<hbm>> -> memref<80xi32, #tpu.memory_space<hbm>>
      tpu.wait_dma2 semaphore(%arg24 : memref<!tpu.dma_semaphore, #tpu.memory_space<semaphore_mem>>) src(%dma_wait3A_151 : memref<80xi32, #tpu.memory_space<hbm>>) dst(%arg13 : memref<80xi32, #tpu.memory_space<vmem>>)
      %dma_wait3A_152 = tpu.memref_slice %arg3[%add3A_140] : memref<100000xi32, #tpu.memory_space<hbm>> -> memref<80xi32, #tpu.memory_space<hbm>>
      %dma_wait3A_153 = tpu.memref_slice %arg3[%add3A_140] : memref<100000xi32, #tpu.memory_space<hbm>> -> memref<80xi32, #tpu.memory_space<hbm>>
      tpu.wait_dma2 semaphore(%arg24 : memref<!tpu.dma_semaphore, #tpu.memory_space<semaphore_mem>>) src(%dma_wait3A_153 : memref<80xi32, #tpu.memory_space<hbm>>) dst(%arg14 : memref<80xi32, #tpu.memory_space<vmem>>)
      %dma_wait3A_154 = tpu.memref_slice %arg3[%add3A_142] : memref<100000xi32, #tpu.memory_space<hbm>> -> memref<80xi32, #tpu.memory_space<hbm>>
      %dma_wait3A_155 = tpu.memref_slice %arg3[%add3A_142] : memref<100000xi32, #tpu.memory_space<hbm>> -> memref<80xi32, #tpu.memory_space<hbm>>
      tpu.wait_dma2 semaphore(%arg24 : memref<!tpu.dma_semaphore, #tpu.memory_space<semaphore_mem>>) src(%dma_wait3A_155 : memref<80xi32, #tpu.memory_space<hbm>>) dst(%arg15 : memref<80xi32, #tpu.memory_space<vmem>>)
      %dma_wait3A_156 = tpu.memref_slice %arg3[%add3A_144] : memref<100000xi32, #tpu.memory_space<hbm>> -> memref<80xi32, #tpu.memory_space<hbm>>
      %dma_wait3A_157 = tpu.memref_slice %arg3[%add3A_144] : memref<100000xi32, #tpu.memory_space<hbm>> -> memref<80xi32, #tpu.memory_space<hbm>>
      tpu.wait_dma2 semaphore(%arg24 : memref<!tpu.dma_semaphore, #tpu.memory_space<semaphore_mem>>) src(%dma_wait3A_157 : memref<80xi32, #tpu.memory_space<hbm>>) dst(%arg16 : memref<80xi32, #tpu.memory_space<vmem>>)
      %dma_wait3A_158 = tpu.memref_slice %arg3[%add3A_146] : memref<100000xi32, #tpu.memory_space<hbm>> -> memref<80xi32, #tpu.memory_space<hbm>>
      %dma_wait3A_159 = tpu.memref_slice %arg3[%add3A_146] : memref<100000xi32, #tpu.memory_space<hbm>> -> memref<80xi32, #tpu.memory_space<hbm>>
      tpu.wait_dma2 semaphore(%arg24 : memref<!tpu.dma_semaphore, #tpu.memory_space<semaphore_mem>>) src(%dma_wait3A_159 : memref<80xi32, #tpu.memory_space<hbm>>) dst(%arg17 : memref<80xi32, #tpu.memory_space<vmem>>)
      %dma_start3A = arith.constant 0 : i32
      %dma_start3A_160 = arith.constant 0 : i32
      %dma_start3A_161 = tpu.memref_slice %arg7[%dma_start3A, %dma_start3A_160] : memref<400x128xf32, #tpu.memory_space<vmem>> -> memref<80x128xf32, #tpu.memory_space<vmem>>
      %dma_start3A_162 = arith.constant 0 : i32
      %dma_start3A_163 = arith.constant 0 : i32
      %dma_start3A_164 = tpu.memref_slice %arg21[%dma_start3A_162, %dma_start3A_163] : memref<64x128xf32, #tpu.memory_space<vmem_shared>> -> memref<64x128xf32, #tpu.memory_space<vmem_shared>>
      tpu.enqueue_indirect_dma source(%dma_start3A_161 : memref<80x128xf32, #tpu.memory_space<vmem>>) target(%dma_start3A_164 : memref<64x128xf32, #tpu.memory_space<vmem_shared>>) offsets(%arg13 : memref<80xi32, #tpu.memory_space<vmem>>) semaphore(%arg26 : memref<!tpu.dma_semaphore, #tpu.memory_space<semaphore_mem>>) {add = true}
      %dma_start3A_165 = arith.constant 0 : i32
      %dma_start3A_166 = tpu.memref_slice %arg22[%dma_start3A_165] : memref<64xf32, #tpu.memory_space<vmem_shared>> -> memref<64xf32, #tpu.memory_space<vmem_shared>>
      tpu.enqueue_indirect_dma source(%arg18 : memref<80xf32, #tpu.memory_space<vmem>>) target(%dma_start3A_166 : memref<64xf32, #tpu.memory_space<vmem_shared>>) offsets(%arg13 : memref<80xi32, #tpu.memory_space<vmem>>) semaphore(%arg26 : memref<!tpu.dma_semaphore, #tpu.memory_space<semaphore_mem>>) {add = true}
      %dma_start3A_167 = arith.constant 80 : i32
      %dma_start3A_168 = arith.constant 0 : i32
      %dma_start3A_169 = tpu.memref_slice %arg7[%dma_start3A_167, %dma_start3A_168] : memref<400x128xf32, #tpu.memory_space<vmem>> -> memref<80x128xf32, #tpu.memory_space<vmem>>
      %dma_start3A_170 = arith.constant 0 : i32
      %dma_start3A_171 = arith.constant 0 : i32
      %dma_start3A_172 = tpu.memref_slice %arg21[%dma_start3A_170, %dma_start3A_171] : memref<64x128xf32, #tpu.memory_space<vmem_shared>> -> memref<64x128xf32, #tpu.memory_space<vmem_shared>>
      tpu.enqueue_indirect_dma source(%dma_start3A_169 : memref<80x128xf32, #tpu.memory_space<vmem>>) target(%dma_start3A_172 : memref<64x128xf32, #tpu.memory_space<vmem_shared>>) offsets(%arg14 : memref<80xi32, #tpu.memory_space<vmem>>) semaphore(%arg26 : memref<!tpu.dma_semaphore, #tpu.memory_space<semaphore_mem>>) {add = true}
      %dma_start3A_173 = arith.constant 0 : i32
      %dma_start3A_174 = tpu.memref_slice %arg22[%dma_start3A_173] : memref<64xf32, #tpu.memory_space<vmem_shared>> -> memref<64xf32, #tpu.memory_space<vmem_shared>>
      tpu.enqueue_indirect_dma source(%arg18 : memref<80xf32, #tpu.memory_space<vmem>>) target(%dma_start3A_174 : memref<64xf32, #tpu.memory_space<vmem_shared>>) offsets(%arg14 : memref<80xi32, #tpu.memory_space<vmem>>) semaphore(%arg26 : memref<!tpu.dma_semaphore, #tpu.memory_space<semaphore_mem>>) {add = true}
      %dma_start3A_175 = arith.constant 160 : i32
      %dma_start3A_176 = arith.constant 0 : i32
      %dma_start3A_177 = tpu.memref_slice %arg7[%dma_start3A_175, %dma_start3A_176] : memref<400x128xf32, #tpu.memory_space<vmem>> -> memref<80x128xf32, #tpu.memory_space<vmem>>
      %dma_start3A_178 = arith.constant 0 : i32
      %dma_start3A_179 = arith.constant 0 : i32
      %dma_start3A_180 = tpu.memref_slice %arg21[%dma_start3A_178, %dma_start3A_179] : memref<64x128xf32, #tpu.memory_space<vmem_shared>> -> memref<64x128xf32, #tpu.memory_space<vmem_shared>>
      tpu.enqueue_indirect_dma source(%dma_start3A_177 : memref<80x128xf32, #tpu.memory_space<vmem>>) target(%dma_start3A_180 : memref<64x128xf32, #tpu.memory_space<vmem_shared>>) offsets(%arg15 : memref<80xi32, #tpu.memory_space<vmem>>) semaphore(%arg26 : memref<!tpu.dma_semaphore, #tpu.memory_space<semaphore_mem>>) {add = true}
      %dma_start3A_181 = arith.constant 0 : i32
      %dma_start3A_182 = tpu.memref_slice %arg22[%dma_start3A_181] : memref<64xf32, #tpu.memory_space<vmem_shared>> -> memref<64xf32, #tpu.memory_space<vmem_shared>>
      tpu.enqueue_indirect_dma source(%arg18 : memref<80xf32, #tpu.memory_space<vmem>>) target(%dma_start3A_182 : memref<64xf32, #tpu.memory_space<vmem_shared>>) offsets(%arg15 : memref<80xi32, #tpu.memory_space<vmem>>) semaphore(%arg26 : memref<!tpu.dma_semaphore, #tpu.memory_space<semaphore_mem>>) {add = true}
      %dma_start3A_183 = arith.constant 240 : i32
      %dma_start3A_184 = arith.constant 0 : i32
      %dma_start3A_185 = tpu.memref_slice %arg7[%dma_start3A_183, %dma_start3A_184] : memref<400x128xf32, #tpu.memory_space<vmem>> -> memref<80x128xf32, #tpu.memory_space<vmem>>
      %dma_start3A_186 = arith.constant 0 : i32
      %dma_start3A_187 = arith.constant 0 : i32
      %dma_start3A_188 = tpu.memref_slice %arg21[%dma_start3A_186, %dma_start3A_187] : memref<64x128xf32, #tpu.memory_space<vmem_shared>> -> memref<64x128xf32, #tpu.memory_space<vmem_shared>>
      tpu.enqueue_indirect_dma source(%dma_start3A_185 : memref<80x128xf32, #tpu.memory_space<vmem>>) target(%dma_start3A_188 : memref<64x128xf32, #tpu.memory_space<vmem_shared>>) offsets(%arg16 : memref<80xi32, #tpu.memory_space<vmem>>) semaphore(%arg26 : memref<!tpu.dma_semaphore, #tpu.memory_space<semaphore_mem>>) {add = true}
      %dma_start3A_189 = arith.constant 0 : i32
      %dma_start3A_190 = tpu.memref_slice %arg22[%dma_start3A_189] : memref<64xf32, #tpu.memory_space<vmem_shared>> -> memref<64xf32, #tpu.memory_space<vmem_shared>>
      tpu.enqueue_indirect_dma source(%arg18 : memref<80xf32, #tpu.memory_space<vmem>>) target(%dma_start3A_190 : memref<64xf32, #tpu.memory_space<vmem_shared>>) offsets(%arg16 : memref<80xi32, #tpu.memory_space<vmem>>) semaphore(%arg26 : memref<!tpu.dma_semaphore, #tpu.memory_space<semaphore_mem>>) {add = true}
      %dma_start3A_191 = arith.constant 320 : i32
      %dma_start3A_192 = arith.constant 0 : i32
      %dma_start3A_193 = tpu.memref_slice %arg7[%dma_start3A_191, %dma_start3A_192] : memref<400x128xf32, #tpu.memory_space<vmem>> -> memref<80x128xf32, #tpu.memory_space<vmem>>
      %dma_start3A_194 = arith.constant 0 : i32
      %dma_start3A_195 = arith.constant 0 : i32
      %dma_start3A_196 = tpu.memref_slice %arg21[%dma_start3A_194, %dma_start3A_195] : memref<64x128xf32, #tpu.memory_space<vmem_shared>> -> memref<64x128xf32, #tpu.memory_space<vmem_shared>>
      tpu.enqueue_indirect_dma source(%dma_start3A_193 : memref<80x128xf32, #tpu.memory_space<vmem>>) target(%dma_start3A_196 : memref<64x128xf32, #tpu.memory_space<vmem_shared>>) offsets(%arg17 : memref<80xi32, #tpu.memory_space<vmem>>) semaphore(%arg26 : memref<!tpu.dma_semaphore, #tpu.memory_space<semaphore_mem>>) {add = true}
      %dma_start3A_197 = arith.constant 0 : i32
      %dma_start3A_198 = tpu.memref_slice %arg22[%dma_start3A_197] : memref<64xf32, #tpu.memory_space<vmem_shared>> -> memref<64xf32, #tpu.memory_space<vmem_shared>>
      tpu.enqueue_indirect_dma source(%arg18 : memref<80xf32, #tpu.memory_space<vmem>>) target(%dma_start3A_198 : memref<64xf32, #tpu.memory_space<vmem_shared>>) offsets(%arg17 : memref<80xi32, #tpu.memory_space<vmem>>) semaphore(%arg26 : memref<!tpu.dma_semaphore, #tpu.memory_space<semaphore_mem>>) {add = true}
    } else {
    }
    %add3A_106 = arith.constant 128 : i32
    %add3A_107 = arith.addi %add3A, %add3A_106 : i32
    %lt3A_108 = arith.constant 140 : i32
    %lt3A_109 = arith.cmpi slt, %add3A_107, %lt3A_108 : i32
    %convert_element_type3A_110 = arith.extui %lt3A_109 : i1 to i32
    %cond3A_111 = arith.constant 0 : i32
    %cond3A_112 = arith.cmpi ne, %convert_element_type3A_110, %cond3A_111 : i32
    scf.if %cond3A_112 {
      %add3A_133 = arith.constant 128 : i32
      %add3A_134 = arith.addi %add3A, %add3A_133 : i32
      %mul3A_135 = arith.constant 400 : i32
      %mul3A_136 = arith.muli %add3A_134, %mul3A_135 : i32
      %add3A_137 = arith.constant 0 : i32
      %add3A_138 = arith.addi %mul3A_136, %add3A_137 : i32
      %add3A_139 = arith.constant 80 : i32
      %add3A_140 = arith.addi %mul3A_136, %add3A_139 : i32
      %add3A_141 = arith.constant 160 : i32
      %add3A_142 = arith.addi %mul3A_136, %add3A_141 : i32
      %add3A_143 = arith.constant 240 : i32
      %add3A_144 = arith.addi %mul3A_136, %add3A_143 : i32
      %add3A_145 = arith.constant 320 : i32
      %add3A_146 = arith.addi %mul3A_136, %add3A_145 : i32
      %dma_wait3A = arith.constant 0 : i32
      %dma_wait3A_147 = tpu.memref_slice %arg2[%mul3A_136, %dma_wait3A] : memref<100000x128xf32, #tpu.memory_space<hbm>> -> memref<400x128xf32, #tpu.memory_space<hbm>>
      %dma_wait3A_148 = arith.constant 0 : i32
      %dma_wait3A_149 = tpu.memref_slice %arg2[%mul3A_136, %dma_wait3A_148] : memref<100000x128xf32, #tpu.memory_space<hbm>> -> memref<400x128xf32, #tpu.memory_space<hbm>>
      tpu.wait_dma2 semaphore(%arg23 : memref<!tpu.dma_semaphore, #tpu.memory_space<semaphore_mem>>) src(%dma_wait3A_149 : memref<400x128xf32, #tpu.memory_space<hbm>>) dst(%arg6 : memref<400x128xf32, #tpu.memory_space<vmem>>)
      %dma_wait3A_150 = tpu.memref_slice %arg3[%add3A_138] : memref<100000xi32, #tpu.memory_space<hbm>> -> memref<80xi32, #tpu.memory_space<hbm>>
      %dma_wait3A_151 = tpu.memref_slice %arg3[%add3A_138] : memref<100000xi32, #tpu.memory_space<hbm>> -> memref<80xi32, #tpu.memory_space<hbm>>
      tpu.wait_dma2 semaphore(%arg23 : memref<!tpu.dma_semaphore, #tpu.memory_space<semaphore_mem>>) src(%dma_wait3A_151 : memref<80xi32, #tpu.memory_space<hbm>>) dst(%arg8 : memref<80xi32, #tpu.memory_space<vmem>>)
      %dma_wait3A_152 = tpu.memref_slice %arg3[%add3A_140] : memref<100000xi32, #tpu.memory_space<hbm>> -> memref<80xi32, #tpu.memory_space<hbm>>
      %dma_wait3A_153 = tpu.memref_slice %arg3[%add3A_140] : memref<100000xi32, #tpu.memory_space<hbm>> -> memref<80xi32, #tpu.memory_space<hbm>>
      tpu.wait_dma2 semaphore(%arg23 : memref<!tpu.dma_semaphore, #tpu.memory_space<semaphore_mem>>) src(%dma_wait3A_153 : memref<80xi32, #tpu.memory_space<hbm>>) dst(%arg9 : memref<80xi32, #tpu.memory_space<vmem>>)
      %dma_wait3A_154 = tpu.memref_slice %arg3[%add3A_142] : memref<100000xi32, #tpu.memory_space<hbm>> -> memref<80xi32, #tpu.memory_space<hbm>>
      %dma_wait3A_155 = tpu.memref_slice %arg3[%add3A_142] : memref<100000xi32, #tpu.memory_space<hbm>> -> memref<80xi32, #tpu.memory_space<hbm>>
      tpu.wait_dma2 semaphore(%arg23 : memref<!tpu.dma_semaphore, #tpu.memory_space<semaphore_mem>>) src(%dma_wait3A_155 : memref<80xi32, #tpu.memory_space<hbm>>) dst(%arg10 : memref<80xi32, #tpu.memory_space<vmem>>)
      %dma_wait3A_156 = tpu.memref_slice %arg3[%add3A_144] : memref<100000xi32, #tpu.memory_space<hbm>> -> memref<80xi32, #tpu.memory_space<hbm>>
      %dma_wait3A_157 = tpu.memref_slice %arg3[%add3A_144] : memref<100000xi32, #tpu.memory_space<hbm>> -> memref<80xi32, #tpu.memory_space<hbm>>
      tpu.wait_dma2 semaphore(%arg23 : memref<!tpu.dma_semaphore, #tpu.memory_space<semaphore_mem>>) src(%dma_wait3A_157 : memref<80xi32, #tpu.memory_space<hbm>>) dst(%arg11 : memref<80xi32, #tpu.memory_space<vmem>>)
      %dma_wait3A_158 = tpu.memref_slice %arg3[%add3A_146] : memref<100000xi32, #tpu.memory_space<hbm>> -> memref<80xi32, #tpu.memory_space<hbm>>
      %dma_wait3A_159 = tpu.memref_slice %arg3[%add3A_146] : memref<100000xi32, #tpu.memory_space<hbm>> -> memref<80xi32, #tpu.memory_space<hbm>>
      tpu.wait_dma2 semaphore(%arg23 : memref<!tpu.dma_semaphore, #tpu.memory_space<semaphore_mem>>) src(%dma_wait3A_159 : memref<80xi32, #tpu.memory_space<hbm>>) dst(%arg12 : memref<80xi32, #tpu.memory_space<vmem>>)
      %dma_start3A = arith.constant 0 : i32
      %dma_start3A_160 = arith.constant 0 : i32
      %dma_start3A_161 = tpu.memref_slice %arg6[%dma_start3A, %dma_start3A_160] : memref<400x128xf32, #tpu.memory_space<vmem>> -> memref<80x128xf32, #tpu.memory_space<vmem>>
      %dma_start3A_162 = arith.constant 0 : i32
      %dma_start3A_163 = arith.constant 0 : i32
      %dma_start3A_164 = tpu.memref_slice %arg21[%dma_start3A_162, %dma_start3A_163] : memref<64x128xf32, #tpu.memory_space<vmem_shared>> -> memref<64x128xf32, #tpu.memory_space<vmem_shared>>
      tpu.enqueue_indirect_dma source(%dma_start3A_161 : memref<80x128xf32, #tpu.memory_space<vmem>>) target(%dma_start3A_164 : memref<64x128xf32, #tpu.memory_space<vmem_shared>>) offsets(%arg8 : memref<80xi32, #tpu.memory_space<vmem>>) semaphore(%arg25 : memref<!tpu.dma_semaphore, #tpu.memory_space<semaphore_mem>>) {add = true}
      %dma_start3A_165 = arith.constant 0 : i32
      %dma_start3A_166 = tpu.memref_slice %arg22[%dma_start3A_165] : memref<64xf32, #tpu.memory_space<vmem_shared>> -> memref<64xf32, #tpu.memory_space<vmem_shared>>
      tpu.enqueue_indirect_dma source(%arg18 : memref<80xf32, #tpu.memory_space<vmem>>) target(%dma_start3A_166 : memref<64xf32, #tpu.memory_space<vmem_shared>>) offsets(%arg8 : memref<80xi32, #tpu.memory_space<vmem>>) semaphore(%arg25 : memref<!tpu.dma_semaphore, #tpu.memory_space<semaphore_mem>>) {add = true}
      %dma_start3A_167 = arith.constant 80 : i32
      %dma_start3A_168 = arith.constant 0 : i32
      %dma_start3A_169 = tpu.memref_slice %arg6[%dma_start3A_167, %dma_start3A_168] : memref<400x128xf32, #tpu.memory_space<vmem>> -> memref<80x128xf32, #tpu.memory_space<vmem>>
      %dma_start3A_170 = arith.constant 0 : i32
      %dma_start3A_171 = arith.constant 0 : i32
      %dma_start3A_172 = tpu.memref_slice %arg21[%dma_start3A_170, %dma_start3A_171] : memref<64x128xf32, #tpu.memory_space<vmem_shared>> -> memref<64x128xf32, #tpu.memory_space<vmem_shared>>
      tpu.enqueue_indirect_dma source(%dma_start3A_169 : memref<80x128xf32, #tpu.memory_space<vmem>>) target(%dma_start3A_172 : memref<64x128xf32, #tpu.memory_space<vmem_shared>>) offsets(%arg9 : memref<80xi32, #tpu.memory_space<vmem>>) semaphore(%arg25 : memref<!tpu.dma_semaphore, #tpu.memory_space<semaphore_mem>>) {add = true}
      %dma_start3A_173 = arith.constant 0 : i32
      %dma_start3A_174 = tpu.memref_slice %arg22[%dma_start3A_173] : memref<64xf32, #tpu.memory_space<vmem_shared>> -> memref<64xf32, #tpu.memory_space<vmem_shared>>
      tpu.enqueue_indirect_dma source(%arg18 : memref<80xf32, #tpu.memory_space<vmem>>) target(%dma_start3A_174 : memref<64xf32, #tpu.memory_space<vmem_shared>>) offsets(%arg9 : memref<80xi32, #tpu.memory_space<vmem>>) semaphore(%arg25 : memref<!tpu.dma_semaphore, #tpu.memory_space<semaphore_mem>>) {add = true}
      %dma_start3A_175 = arith.constant 160 : i32
      %dma_start3A_176 = arith.constant 0 : i32
      %dma_start3A_177 = tpu.memref_slice %arg6[%dma_start3A_175, %dma_start3A_176] : memref<400x128xf32, #tpu.memory_space<vmem>> -> memref<80x128xf32, #tpu.memory_space<vmem>>
      %dma_start3A_178 = arith.constant 0 : i32
      %dma_start3A_179 = arith.constant 0 : i32
      %dma_start3A_180 = tpu.memref_slice %arg21[%dma_start3A_178, %dma_start3A_179] : memref<64x128xf32, #tpu.memory_space<vmem_shared>> -> memref<64x128xf32, #tpu.memory_space<vmem_shared>>
      tpu.enqueue_indirect_dma source(%dma_start3A_177 : memref<80x128xf32, #tpu.memory_space<vmem>>) target(%dma_start3A_180 : memref<64x128xf32, #tpu.memory_space<vmem_shared>>) offsets(%arg10 : memref<80xi32, #tpu.memory_space<vmem>>) semaphore(%arg25 : memref<!tpu.dma_semaphore, #tpu.memory_space<semaphore_mem>>) {add = true}
      %dma_start3A_181 = arith.constant 0 : i32
      %dma_start3A_182 = tpu.memref_slice %arg22[%dma_start3A_181] : memref<64xf32, #tpu.memory_space<vmem_shared>> -> memref<64xf32, #tpu.memory_space<vmem_shared>>
      tpu.enqueue_indirect_dma source(%arg18 : memref<80xf32, #tpu.memory_space<vmem>>) target(%dma_start3A_182 : memref<64xf32, #tpu.memory_space<vmem_shared>>) offsets(%arg10 : memref<80xi32, #tpu.memory_space<vmem>>) semaphore(%arg25 : memref<!tpu.dma_semaphore, #tpu.memory_space<semaphore_mem>>) {add = true}
      %dma_start3A_183 = arith.constant 240 : i32
      %dma_start3A_184 = arith.constant 0 : i32
      %dma_start3A_185 = tpu.memref_slice %arg6[%dma_start3A_183, %dma_start3A_184] : memref<400x128xf32, #tpu.memory_space<vmem>> -> memref<80x128xf32, #tpu.memory_space<vmem>>
      %dma_start3A_186 = arith.constant 0 : i32
      %dma_start3A_187 = arith.constant 0 : i32
      %dma_start3A_188 = tpu.memref_slice %arg21[%dma_start3A_186, %dma_start3A_187] : memref<64x128xf32, #tpu.memory_space<vmem_shared>> -> memref<64x128xf32, #tpu.memory_space<vmem_shared>>
      tpu.enqueue_indirect_dma source(%dma_start3A_185 : memref<80x128xf32, #tpu.memory_space<vmem>>) target(%dma_start3A_188 : memref<64x128xf32, #tpu.memory_space<vmem_shared>>) offsets(%arg11 : memref<80xi32, #tpu.memory_space<vmem>>) semaphore(%arg25 : memref<!tpu.dma_semaphore, #tpu.memory_space<semaphore_mem>>) {add = true}
      %dma_start3A_189 = arith.constant 0 : i32
      %dma_start3A_190 = tpu.memref_slice %arg22[%dma_start3A_189] : memref<64xf32, #tpu.memory_space<vmem_shared>> -> memref<64xf32, #tpu.memory_space<vmem_shared>>
      tpu.enqueue_indirect_dma source(%arg18 : memref<80xf32, #tpu.memory_space<vmem>>) target(%dma_start3A_190 : memref<64xf32, #tpu.memory_space<vmem_shared>>) offsets(%arg11 : memref<80xi32, #tpu.memory_space<vmem>>) semaphore(%arg25 : memref<!tpu.dma_semaphore, #tpu.memory_space<semaphore_mem>>) {add = true}
      %dma_start3A_191 = arith.constant 320 : i32
      %dma_start3A_192 = arith.constant 0 : i32
      %dma_start3A_193 = tpu.memref_slice %arg6[%dma_start3A_191, %dma_start3A_192] : memref<400x128xf32, #tpu.memory_space<vmem>> -> memref<80x128xf32, #tpu.memory_space<vmem>>
      %dma_start3A_194 = arith.constant 0 : i32
      %dma_start3A_195 = arith.constant 0 : i32
      %dma_start3A_196 = tpu.memref_slice %arg21[%dma_start3A_194, %dma_start3A_195] : memref<64x128xf32, #tpu.memory_space<vmem_shared>> -> memref<64x128xf32, #tpu.memory_space<vmem_shared>>
      tpu.enqueue_indirect_dma source(%dma_start3A_193 : memref<80x128xf32, #tpu.memory_space<vmem>>) target(%dma_start3A_196 : memref<64x128xf32, #tpu.memory_space<vmem_shared>>) offsets(%arg12 : memref<80xi32, #tpu.memory_space<vmem>>) semaphore(%arg25 : memref<!tpu.dma_semaphore, #tpu.memory_space<semaphore_mem>>) {add = true}
      %dma_start3A_197 = arith.constant 0 : i32
      %dma_start3A_198 = tpu.memref_slice %arg22[%dma_start3A_197] : memref<64xf32, #tpu.memory_space<vmem_shared>> -> memref<64xf32, #tpu.memory_space<vmem_shared>>
      tpu.enqueue_indirect_dma source(%arg18 : memref<80xf32, #tpu.memory_space<vmem>>) target(%dma_start3A_198 : memref<64xf32, #tpu.memory_space<vmem_shared>>) offsets(%arg12 : memref<80xi32, #tpu.memory_space<vmem>>) semaphore(%arg25 : memref<!tpu.dma_semaphore, #tpu.memory_space<semaphore_mem>>) {add = true}
    } else {
    }
    %add3A_113 = arith.constant 96 : i32
    %add3A_114 = arith.addi %add3A, %add3A_113 : i32
    %lt3A_115 = arith.constant 140 : i32
    %lt3A_116 = arith.cmpi slt, %add3A_114, %lt3A_115 : i32
    %convert_element_type3A_117 = arith.extui %lt3A_116 : i1 to i32
    %cond3A_118 = arith.constant 0 : i32
    %cond3A_119 = arith.cmpi ne, %convert_element_type3A_117, %cond3A_118 : i32
    scf.if %cond3A_119 {
      %dma_wait3A = arith.constant 0 : i32
      %dma_wait3A_133 = arith.constant 0 : i32
      %dma_wait3A_134 = tpu.memref_slice %arg7[%dma_wait3A, %dma_wait3A_133] : memref<400x128xf32, #tpu.memory_space<vmem>> -> memref<80x128xf32, #tpu.memory_space<vmem>>
      %dma_wait3A_135 = arith.constant 0 : i32
      %dma_wait3A_136 = arith.constant 0 : i32
      %dma_wait3A_137 = tpu.memref_slice %arg21[%dma_wait3A_135, %dma_wait3A_136] : memref<64x128xf32, #tpu.memory_space<vmem_shared>> -> memref<64x128xf32, #tpu.memory_space<vmem_shared>>
      tpu.wait_indirect_dma semaphore(%arg26 : memref<!tpu.dma_semaphore, #tpu.memory_space<semaphore_mem>>) src(%dma_wait3A_134 : memref<80x128xf32, #tpu.memory_space<vmem>>) dst(%dma_wait3A_137 : memref<64x128xf32, #tpu.memory_space<vmem_shared>>)
      %dma_wait3A_138 = arith.constant 0 : i32
      %dma_wait3A_139 = tpu.memref_slice %arg22[%dma_wait3A_138] : memref<64xf32, #tpu.memory_space<vmem_shared>> -> memref<64xf32, #tpu.memory_space<vmem_shared>>
      tpu.wait_indirect_dma semaphore(%arg26 : memref<!tpu.dma_semaphore, #tpu.memory_space<semaphore_mem>>) src(%arg18 : memref<80xf32, #tpu.memory_space<vmem>>) dst(%dma_wait3A_139 : memref<64xf32, #tpu.memory_space<vmem_shared>>)
      %dma_wait3A_140 = arith.constant 80 : i32
      %dma_wait3A_141 = arith.constant 0 : i32
      %dma_wait3A_142 = tpu.memref_slice %arg7[%dma_wait3A_140, %dma_wait3A_141] : memref<400x128xf32, #tpu.memory_space<vmem>> -> memref<80x128xf32, #tpu.memory_space<vmem>>
      %dma_wait3A_143 = arith.constant 0 : i32
      %dma_wait3A_144 = arith.constant 0 : i32
      %dma_wait3A_145 = tpu.memref_slice %arg21[%dma_wait3A_143, %dma_wait3A_144] : memref<64x128xf32, #tpu.memory_space<vmem_shared>> -> memref<64x128xf32, #tpu.memory_space<vmem_shared>>
      tpu.wait_indirect_dma semaphore(%arg26 : memref<!tpu.dma_semaphore, #tpu.memory_space<semaphore_mem>>) src(%dma_wait3A_142 : memref<80x128xf32, #tpu.memory_space<vmem>>) dst(%dma_wait3A_145 : memref<64x128xf32, #tpu.memory_space<vmem_shared>>)
      %dma_wait3A_146 = arith.constant 0 : i32
      %dma_wait3A_147 = tpu.memref_slice %arg22[%dma_wait3A_146] : memref<64xf32, #tpu.memory_space<vmem_shared>> -> memref<64xf32, #tpu.memory_space<vmem_shared>>
      tpu.wait_indirect_dma semaphore(%arg26 : memref<!tpu.dma_semaphore, #tpu.memory_space<semaphore_mem>>) src(%arg18 : memref<80xf32, #tpu.memory_space<vmem>>) dst(%dma_wait3A_147 : memref<64xf32, #tpu.memory_space<vmem_shared>>)
      %dma_wait3A_148 = arith.constant 160 : i32
      %dma_wait3A_149 = arith.constant 0 : i32
      %dma_wait3A_150 = tpu.memref_slice %arg7[%dma_wait3A_148, %dma_wait3A_149] : memref<400x128xf32, #tpu.memory_space<vmem>> -> memref<80x128xf32, #tpu.memory_space<vmem>>
      %dma_wait3A_151 = arith.constant 0 : i32
      %dma_wait3A_152 = arith.constant 0 : i32
      %dma_wait3A_153 = tpu.memref_slice %arg21[%dma_wait3A_151, %dma_wait3A_152] : memref<64x128xf32, #tpu.memory_space<vmem_shared>> -> memref<64x128xf32, #tpu.memory_space<vmem_shared>>
      tpu.wait_indirect_dma semaphore(%arg26 : memref<!tpu.dma_semaphore, #tpu.memory_space<semaphore_mem>>) src(%dma_wait3A_150 : memref<80x128xf32, #tpu.memory_space<vmem>>) dst(%dma_wait3A_153 : memref<64x128xf32, #tpu.memory_space<vmem_shared>>)
      %dma_wait3A_154 = arith.constant 0 : i32
      %dma_wait3A_155 = tpu.memref_slice %arg22[%dma_wait3A_154] : memref<64xf32, #tpu.memory_space<vmem_shared>> -> memref<64xf32, #tpu.memory_space<vmem_shared>>
      tpu.wait_indirect_dma semaphore(%arg26 : memref<!tpu.dma_semaphore, #tpu.memory_space<semaphore_mem>>) src(%arg18 : memref<80xf32, #tpu.memory_space<vmem>>) dst(%dma_wait3A_155 : memref<64xf32, #tpu.memory_space<vmem_shared>>)
      %dma_wait3A_156 = arith.constant 240 : i32
      %dma_wait3A_157 = arith.constant 0 : i32
      %dma_wait3A_158 = tpu.memref_slice %arg7[%dma_wait3A_156, %dma_wait3A_157] : memref<400x128xf32, #tpu.memory_space<vmem>> -> memref<80x128xf32, #tpu.memory_space<vmem>>
      %dma_wait3A_159 = arith.constant 0 : i32
      %dma_wait3A_160 = arith.constant 0 : i32
      %dma_wait3A_161 = tpu.memref_slice %arg21[%dma_wait3A_159, %dma_wait3A_160] : memref<64x128xf32, #tpu.memory_space<vmem_shared>> -> memref<64x128xf32, #tpu.memory_space<vmem_shared>>
      tpu.wait_indirect_dma semaphore(%arg26 : memref<!tpu.dma_semaphore, #tpu.memory_space<semaphore_mem>>) src(%dma_wait3A_158 : memref<80x128xf32, #tpu.memory_space<vmem>>) dst(%dma_wait3A_161 : memref<64x128xf32, #tpu.memory_space<vmem_shared>>)
      %dma_wait3A_162 = arith.constant 0 : i32
      %dma_wait3A_163 = tpu.memref_slice %arg22[%dma_wait3A_162] : memref<64xf32, #tpu.memory_space<vmem_shared>> -> memref<64xf32, #tpu.memory_space<vmem_shared>>
      tpu.wait_indirect_dma semaphore(%arg26 : memref<!tpu.dma_semaphore, #tpu.memory_space<semaphore_mem>>) src(%arg18 : memref<80xf32, #tpu.memory_space<vmem>>) dst(%dma_wait3A_163 : memref<64xf32, #tpu.memory_space<vmem_shared>>)
      %dma_wait3A_164 = arith.constant 320 : i32
      %dma_wait3A_165 = arith.constant 0 : i32
      %dma_wait3A_166 = tpu.memref_slice %arg7[%dma_wait3A_164, %dma_wait3A_165] : memref<400x128xf32, #tpu.memory_space<vmem>> -> memref<80x128xf32, #tpu.memory_space<vmem>>
      %dma_wait3A_167 = arith.constant 0 : i32
      %dma_wait3A_168 = arith.constant 0 : i32
      %dma_wait3A_169 = tpu.memref_slice %arg21[%dma_wait3A_167, %dma_wait3A_168] : memref<64x128xf32, #tpu.memory_space<vmem_shared>> -> memref<64x128xf32, #tpu.memory_space<vmem_shared>>
      tpu.wait_indirect_dma semaphore(%arg26 : memref<!tpu.dma_semaphore, #tpu.memory_space<semaphore_mem>>) src(%dma_wait3A_166 : memref<80x128xf32, #tpu.memory_space<vmem>>) dst(%dma_wait3A_169 : memref<64x128xf32, #tpu.memory_space<vmem_shared>>)
      %dma_wait3A_170 = arith.constant 0 : i32
      %dma_wait3A_171 = tpu.memref_slice %arg22[%dma_wait3A_170] : memref<64xf32, #tpu.memory_space<vmem_shared>> -> memref<64xf32, #tpu.memory_space<vmem_shared>>
      tpu.wait_indirect_dma semaphore(%arg26 : memref<!tpu.dma_semaphore, #tpu.memory_space<semaphore_mem>>) src(%arg18 : memref<80xf32, #tpu.memory_space<vmem>>) dst(%dma_wait3A_171 : memref<64xf32, #tpu.memory_space<vmem_shared>>)
    } else {
    }
    %add3A_120 = arith.constant 128 : i32
    %add3A_121 = arith.addi %add3A, %add3A_120 : i32
    %lt3A_122 = arith.constant 140 : i32
    %lt3A_123 = arith.cmpi slt, %add3A_121, %lt3A_122 : i32
    %convert_element_type3A_124 = arith.extui %lt3A_123 : i1 to i32
    %cond3A_125 = arith.constant 0 : i32
    %cond3A_126 = arith.cmpi ne, %convert_element_type3A_124, %cond3A_125 : i32
    scf.if %cond3A_126 {
      %dma_wait3A = arith.constant 0 : i32
      %dma_wait3A_133 = arith.constant 0 : i32
      %dma_wait3A_134 = tpu.memref_slice %arg6[%dma_wait3A, %dma_wait3A_133] : memref<400x128xf32, #tpu.memory_space<vmem>> -> memref<80x128xf32, #tpu.memory_space<vmem>>
      %dma_wait3A_135 = arith.constant 0 : i32
      %dma_wait3A_136 = arith.constant 0 : i32
      %dma_wait3A_137 = tpu.memref_slice %arg21[%dma_wait3A_135, %dma_wait3A_136] : memref<64x128xf32, #tpu.memory_space<vmem_shared>> -> memref<64x128xf32, #tpu.memory_space<vmem_shared>>
      tpu.wait_indirect_dma semaphore(%arg25 : memref<!tpu.dma_semaphore, #tpu.memory_space<semaphore_mem>>) src(%dma_wait3A_134 : memref<80x128xf32, #tpu.memory_space<vmem>>) dst(%dma_wait3A_137 : memref<64x128xf32, #tpu.memory_space<vmem_shared>>)
      %dma_wait3A_138 = arith.constant 0 : i32
      %dma_wait3A_139 = tpu.memref_slice %arg22[%dma_wait3A_138] : memref<64xf32, #tpu.memory_space<vmem_shared>> -> memref<64xf32, #tpu.memory_space<vmem_shared>>
      tpu.wait_indirect_dma semaphore(%arg25 : memref<!tpu.dma_semaphore, #tpu.memory_space<semaphore_mem>>) src(%arg18 : memref<80xf32, #tpu.memory_space<vmem>>) dst(%dma_wait3A_139 : memref<64xf32, #tpu.memory_space<vmem_shared>>)
      %dma_wait3A_140 = arith.constant 80 : i32
      %dma_wait3A_141 = arith.constant 0 : i32
      %dma_wait3A_142 = tpu.memref_slice %arg6[%dma_wait3A_140, %dma_wait3A_141] : memref<400x128xf32, #tpu.memory_space<vmem>> -> memref<80x128xf32, #tpu.memory_space<vmem>>
      %dma_wait3A_143 = arith.constant 0 : i32
      %dma_wait3A_144 = arith.constant 0 : i32
      %dma_wait3A_145 = tpu.memref_slice %arg21[%dma_wait3A_143, %dma_wait3A_144] : memref<64x128xf32, #tpu.memory_space<vmem_shared>> -> memref<64x128xf32, #tpu.memory_space<vmem_shared>>
      tpu.wait_indirect_dma semaphore(%arg25 : memref<!tpu.dma_semaphore, #tpu.memory_space<semaphore_mem>>) src(%dma_wait3A_142 : memref<80x128xf32, #tpu.memory_space<vmem>>) dst(%dma_wait3A_145 : memref<64x128xf32, #tpu.memory_space<vmem_shared>>)
      %dma_wait3A_146 = arith.constant 0 : i32
      %dma_wait3A_147 = tpu.memref_slice %arg22[%dma_wait3A_146] : memref<64xf32, #tpu.memory_space<vmem_shared>> -> memref<64xf32, #tpu.memory_space<vmem_shared>>
      tpu.wait_indirect_dma semaphore(%arg25 : memref<!tpu.dma_semaphore, #tpu.memory_space<semaphore_mem>>) src(%arg18 : memref<80xf32, #tpu.memory_space<vmem>>) dst(%dma_wait3A_147 : memref<64xf32, #tpu.memory_space<vmem_shared>>)
      %dma_wait3A_148 = arith.constant 160 : i32
      %dma_wait3A_149 = arith.constant 0 : i32
      %dma_wait3A_150 = tpu.memref_slice %arg6[%dma_wait3A_148, %dma_wait3A_149] : memref<400x128xf32, #tpu.memory_space<vmem>> -> memref<80x128xf32, #tpu.memory_space<vmem>>
      %dma_wait3A_151 = arith.constant 0 : i32
      %dma_wait3A_152 = arith.constant 0 : i32
      %dma_wait3A_153 = tpu.memref_slice %arg21[%dma_wait3A_151, %dma_wait3A_152] : memref<64x128xf32, #tpu.memory_space<vmem_shared>> -> memref<64x128xf32, #tpu.memory_space<vmem_shared>>
      tpu.wait_indirect_dma semaphore(%arg25 : memref<!tpu.dma_semaphore, #tpu.memory_space<semaphore_mem>>) src(%dma_wait3A_150 : memref<80x128xf32, #tpu.memory_space<vmem>>) dst(%dma_wait3A_153 : memref<64x128xf32, #tpu.memory_space<vmem_shared>>)
      %dma_wait3A_154 = arith.constant 0 : i32
      %dma_wait3A_155 = tpu.memref_slice %arg22[%dma_wait3A_154] : memref<64xf32, #tpu.memory_space<vmem_shared>> -> memref<64xf32, #tpu.memory_space<vmem_shared>>
      tpu.wait_indirect_dma semaphore(%arg25 : memref<!tpu.dma_semaphore, #tpu.memory_space<semaphore_mem>>) src(%arg18 : memref<80xf32, #tpu.memory_space<vmem>>) dst(%dma_wait3A_155 : memref<64xf32, #tpu.memory_space<vmem_shared>>)
      %dma_wait3A_156 = arith.constant 240 : i32
      %dma_wait3A_157 = arith.constant 0 : i32
      %dma_wait3A_158 = tpu.memref_slice %arg6[%dma_wait3A_156, %dma_wait3A_157] : memref<400x128xf32, #tpu.memory_space<vmem>> -> memref<80x128xf32, #tpu.memory_space<vmem>>
      %dma_wait3A_159 = arith.constant 0 : i32
      %dma_wait3A_160 = arith.constant 0 : i32
      %dma_wait3A_161 = tpu.memref_slice %arg21[%dma_wait3A_159, %dma_wait3A_160] : memref<64x128xf32, #tpu.memory_space<vmem_shared>> -> memref<64x128xf32, #tpu.memory_space<vmem_shared>>
      tpu.wait_indirect_dma semaphore(%arg25 : memref<!tpu.dma_semaphore, #tpu.memory_space<semaphore_mem>>) src(%dma_wait3A_158 : memref<80x128xf32, #tpu.memory_space<vmem>>) dst(%dma_wait3A_161 : memref<64x128xf32, #tpu.memory_space<vmem_shared>>)
      %dma_wait3A_162 = arith.constant 0 : i32
      %dma_wait3A_163 = tpu.memref_slice %arg22[%dma_wait3A_162] : memref<64xf32, #tpu.memory_space<vmem_shared>> -> memref<64xf32, #tpu.memory_space<vmem_shared>>
      tpu.wait_indirect_dma semaphore(%arg25 : memref<!tpu.dma_semaphore, #tpu.memory_space<semaphore_mem>>) src(%arg18 : memref<80xf32, #tpu.memory_space<vmem>>) dst(%dma_wait3A_163 : memref<64xf32, #tpu.memory_space<vmem_shared>>)
      %dma_wait3A_164 = arith.constant 320 : i32
      %dma_wait3A_165 = arith.constant 0 : i32
      %dma_wait3A_166 = tpu.memref_slice %arg6[%dma_wait3A_164, %dma_wait3A_165] : memref<400x128xf32, #tpu.memory_space<vmem>> -> memref<80x128xf32, #tpu.memory_space<vmem>>
      %dma_wait3A_167 = arith.constant 0 : i32
      %dma_wait3A_168 = arith.constant 0 : i32
      %dma_wait3A_169 = tpu.memref_slice %arg21[%dma_wait3A_167, %dma_wait3A_168] : memref<64x128xf32, #tpu.memory_space<vmem_shared>> -> memref<64x128xf32, #tpu.memory_space<vmem_shared>>
      tpu.wait_indirect_dma semaphore(%arg25 : memref<!tpu.dma_semaphore, #tpu.memory_space<semaphore_mem>>) src(%dma_wait3A_166 : memref<80x128xf32, #tpu.memory_space<vmem>>) dst(%dma_wait3A_169 : memref<64x128xf32, #tpu.memory_space<vmem_shared>>)
      %dma_wait3A_170 = arith.constant 0 : i32
      %dma_wait3A_171 = tpu.memref_slice %arg22[%dma_wait3A_170] : memref<64xf32, #tpu.memory_space<vmem_shared>> -> memref<64xf32, #tpu.memory_space<vmem_shared>>
      tpu.wait_indirect_dma semaphore(%arg25 : memref<!tpu.dma_semaphore, #tpu.memory_space<semaphore_mem>>) src(%arg18 : memref<80xf32, #tpu.memory_space<vmem>>) dst(%dma_wait3A_171 : memref<64xf32, #tpu.memory_space<vmem_shared>>)
    } else {
    }
    %barrier3A_127 = arith.constant 0 : index
    tpu.barrier barrier_id(%barrier3A_127)
    %eq3A_128 = arith.constant 0 : i32
    %eq3A_129 = arith.cmpi eq, %arg1, %eq3A_128 : i32
    %convert_element_type3A_130 = arith.extui %eq3A_129 : i1 to i32
    %cond3A_131 = arith.constant 0 : i32
    %cond3A_132 = arith.cmpi ne, %convert_element_type3A_130, %cond3A_131 : i32
    scf.if %cond3A_132 {
      "tpu.region"() ({
        %run_scoped3A = tpu.sem_alloc : memref<!tpu.dma_semaphore, #tpu.memory_space<semaphore_mem>>
        %dma_start3A = arith.constant 0 : i32
        %dma_start3A_133 = arith.constant 0 : i32
        %dma_start3A_134 = tpu.memref_slice %arg4[%arg0, %dma_start3A, %dma_start3A_133] : memref<2x64x128xf32, #tpu.memory_space<hbm>> -> memref<1x64x128xf32, #tpu.memory_space<hbm>>
        %dma_start3A_135 = tpu.memref_squeeze %dma_start3A_134 : memref<1x64x128xf32, #tpu.memory_space<hbm>> -> memref<64x128xf32, #tpu.memory_space<hbm>>
        tpu.enqueue_dma source(%arg21 : memref<64x128xf32, #tpu.memory_space<vmem_shared>>) target(%dma_start3A_135 : memref<64x128xf32, #tpu.memory_space<hbm>>) target_semaphore(%run_scoped3A : memref<!tpu.dma_semaphore, #tpu.memory_space<semaphore_mem>>)
        %dma_wait3A = arith.constant 0 : i32
        %dma_wait3A_136 = arith.constant 0 : i32
        %dma_wait3A_137 = tpu.memref_slice %arg4[%arg0, %dma_wait3A, %dma_wait3A_136] : memref<2x64x128xf32, #tpu.memory_space<hbm>> -> memref<1x64x128xf32, #tpu.memory_space<hbm>>
        %dma_wait3A_138 = tpu.memref_squeeze %dma_wait3A_137 : memref<1x64x128xf32, #tpu.memory_space<hbm>> -> memref<64x128xf32, #tpu.memory_space<hbm>>
        tpu.wait_dma2 semaphore(%run_scoped3A : memref<!tpu.dma_semaphore, #tpu.memory_space<semaphore_mem>>) src(%arg21 : memref<64x128xf32, #tpu.memory_space<vmem_shared>>) dst(%dma_wait3A_138 : memref<64x128xf32, #tpu.memory_space<hbm>>)
        tpu.yield
      }) : () -> ()
      "tpu.region"() ({
        %run_scoped3A = tpu.sem_alloc : memref<!tpu.dma_semaphore, #tpu.memory_space<semaphore_mem>>
        %dma_start3A = arith.constant 0 : i32
        %dma_start3A_133 = tpu.memref_slice %arg5[%arg0, %dma_start3A] : memref<2x64xf32, #tpu.memory_space<hbm>> -> memref<1x64xf32, #tpu.memory_space<hbm>>
        %dma_start3A_134 = tpu.memref_squeeze %dma_start3A_133 : memref<1x64xf32, #tpu.memory_space<hbm>> -> memref<64xf32, #tpu.memory_space<hbm>>
        tpu.enqueue_dma source(%arg22 : memref<64xf32, #tpu.memory_space<vmem_shared>>) target(%dma_start3A_134 : memref<64xf32, #tpu.memory_space<hbm>>) target_semaphore(%run_scoped3A : memref<!tpu.dma_semaphore, #tpu.memory_space<semaphore_mem>>)
        %dma_wait3A = arith.constant 0 : i32
        %dma_wait3A_135 = tpu.memref_slice %arg5[%arg0, %dma_wait3A] : memref<2x64xf32, #tpu.memory_space<hbm>> -> memref<1x64xf32, #tpu.memory_space<hbm>>
        %dma_wait3A_136 = tpu.memref_squeeze %dma_wait3A_135 : memref<1x64xf32, #tpu.memory_space<hbm>> -> memref<64xf32, #tpu.memory_space<hbm>>
        tpu.wait_dma2 semaphore(%run_scoped3A : memref<!tpu.dma_semaphore, #tpu.memory_space<semaphore_mem>>) src(%arg22 : memref<64xf32, #tpu.memory_space<vmem_shared>>) dst(%dma_wait3A_136 : memref<64xf32, #tpu.memory_space<hbm>>)
        tpu.yield
      }) : () -> ()
    } else {
    }
    return
  }
}

module attributes {stable_mosaic.version = 14 : i64} {
  func.func @_tc_tail_kernel(%arg0: i32, %arg1: memref<1x1x2000xi32, #tpu.memory_space<vmem>>, %arg2: memref<2000x128xf32, #tpu.memory_space<vmem>>, %arg3: memref<64x128xf32, #tpu.memory_space<vmem>>, %arg4: memref<1x64xf32, #tpu.memory_space<vmem>>) attributes {dimension_semantics = [#tpu.dimension_semantics<arbitrary>], iteration_bounds = array<i64: 22>, scalar_prefetch = 0 : i64, scratch_operands = 0 : i64, tpu.core_type = #tpu.core_type<tc>, window_params = [{transform_indices = @transform_0, window_bounds = array<i64: 1, 1, 2000>}, {transform_indices = @transform_1, window_bounds = array<i64: 2000, 128>}, {pipeline_mode = #tpu.pipeline_mode<synchronous>, transform_indices = @transform_2, window_bounds = array<i64: 64, 128>}, {pipeline_mode = #tpu.pipeline_mode<synchronous>, transform_indices = @transform_3, window_bounds = array<i64: 1, 64>}]} {
    %eq3A = arith.constant 0 : i32
    %eq3A_0 = arith.cmpi eq, %arg0, %eq3A : i32
    %convert_element_type3A = arith.extui %eq3A_0 : i1 to i32
    %cond3A = arith.constant 0 : i32
    %cond3A_1 = arith.cmpi ne, %convert_element_type3A, %cond3A : i32
    scf.if %cond3A_1 {
      %broadcast_in_dim3A_28 = arith.constant 0.000000e+00 : f32
      %broadcast_in_dim3A_29 = vector.broadcast %broadcast_in_dim3A_28 : f32 to vector<64x128xf32>
      %swap3A_30 = arith.constant 0 : index
      %swap3A_31 = arith.constant 0 : index
      %swap3A_32 = vector.load %arg3[%swap3A_30, %swap3A_31] : memref<64x128xf32, #tpu.memory_space<vmem>>, vector<64x128xf32>
      tpu.vector_store %arg3[%swap3A_30, %swap3A_31], %broadcast_in_dim3A_29 {strides = array<i32>} : memref<64x128xf32, #tpu.memory_space<vmem>>, vector<64x128xf32>,
      %broadcast_in_dim3A_33 = arith.constant 0.000000e+00 : f32
      %broadcast_in_dim3A_34 = vector.broadcast %broadcast_in_dim3A_33 : f32 to vector<1x64xf32>
      %swap3A_35 = arith.constant 0 : index
      %swap3A_36 = arith.constant 0 : index
      %swap3A_37 = vector.load %arg4[%swap3A_35, %swap3A_36] : memref<1x64xf32, #tpu.memory_space<vmem>>, vector<1x64xf32>
      tpu.vector_store %arg4[%swap3A_35, %swap3A_36], %broadcast_in_dim3A_34 {strides = array<i32>} : memref<1x64xf32, #tpu.memory_space<vmem>>, vector<1x64xf32>,
    } else {
    }
    %get3A = arith.constant 0 : index
    %get3A_2 = arith.constant 0 : index
    %get3A_3 = arith.constant 0 : index
    %get3A_4 = vector.load %arg1[%get3A, %get3A_2, %get3A_3] : memref<1x1x2000xi32, #tpu.memory_space<vmem>>, vector<1x1x2000xi32>
    %get3A_5 = vector.shape_cast %get3A_4 : vector<1x1x2000xi32> to vector<2000xi32>
    %iota3A = tpu.iota {dimensions = array<i32: 0>} : vector<64x2000xi32>
    %broadcast_in_dim3A = vector.shape_cast %get3A_5 : vector<2000xi32> to vector<1x2000xi32>
    %eq3A_6 = vector.broadcast %broadcast_in_dim3A : vector<1x2000xi32> to vector<64x2000xi32>
    %eq3A_7 = arith.cmpi eq, %iota3A, %eq3A_6 : vector<64x2000xi32>
    %convert_element_type3A_8 = arith.extui %eq3A_7 : vector<64x2000xi1> to vector<64x2000xi32>
    %convert_element_type3A_9 = arith.sitofp %convert_element_type3A_8 : vector<64x2000xi32> to vector<64x2000xf32>
    %get3A_10 = arith.constant 0 : index
    %get3A_11 = arith.constant 0 : index
    %get3A_12 = vector.load %arg3[%get3A_10, %get3A_11] : memref<64x128xf32, #tpu.memory_space<vmem>>, vector<64x128xf32>
    %get3A_13 = arith.constant 0 : index
    %get3A_14 = arith.constant 0 : index
    %get3A_15 = vector.load %arg2[%get3A_13, %get3A_14] : memref<2000x128xf32, #tpu.memory_space<vmem>>, vector<2000x128xf32>
    %dot_general3A = arith.constant dense<0.000000e+00> : vector<64x128xf32>
    %dot_general3A_16 = tpu.matmul %convert_element_type3A_9, %get3A_15, %dot_general3A {dimension_numbers = #tpu.dot_dimension_numbers<[1], [0], [0], [1], [0, 0, 1, 1], [], []>, transpose_lhs_hint = false} : vector<64x2000xf32>, vector<2000x128xf32>, vector<64x128xf32> -> vector<64x128xf32>
    %add3A = arith.addf %get3A_12, %dot_general3A_16 : vector<64x128xf32>
    %swap3A = arith.constant 0 : index
    %swap3A_17 = arith.constant 0 : index
    %swap3A_18 = vector.load %arg3[%swap3A, %swap3A_17] : memref<64x128xf32, #tpu.memory_space<vmem>>, vector<64x128xf32>
    tpu.vector_store %arg3[%swap3A, %swap3A_17], %add3A {strides = array<i32>} : memref<64x128xf32, #tpu.memory_space<vmem>>, vector<64x128xf32>,
    %get3A_19 = arith.constant 0 : index
    %get3A_20 = arith.constant 0 : index
    %get3A_21 = vector.load %arg4[%get3A_19, %get3A_20] : memref<1x64xf32, #tpu.memory_space<vmem>>, vector<1x64xf32>
    %reduce_sum3A = arith.constant dense<0.000000e+00> : vector<64xf32>
    %reduce_sum3A_22 = vector.multi_reduction <add>, %convert_element_type3A_9, %reduce_sum3A [1] : vector<64x2000xf32> to vector<64xf32>
    %broadcast_in_dim3A_23 = vector.shape_cast %reduce_sum3A_22 : vector<64xf32> to vector<1x64xf32>
    %add3A_24 = arith.addf %get3A_21, %broadcast_in_dim3A_23 : vector<1x64xf32>
    %swap3A_25 = arith.constant 0 : index
    %swap3A_26 = arith.constant 0 : index
    %swap3A_27 = vector.load %arg4[%swap3A_25, %swap3A_26] : memref<1x64xf32, #tpu.memory_space<vmem>>, vector<1x64xf32>
    tpu.vector_store %arg4[%swap3A_25, %swap3A_26], %add3A_24 {strides = array<i32>} : memref<1x64xf32, #tpu.memory_space<vmem>>, vector<1x64xf32>,
    return
  }
  func.func @transform_0(%arg0: i32) -> (i32, i32, i32) {
    %c0_i32 = arith.constant 0 : i32
    %c0_i32_0 = arith.constant 0 : i32
    %c0_i32_1 = arith.constant 0 : i32
    return %arg0, %c0_i32, %c0_i32_0 : i32, i32, i32
  }
  func.func @transform_1(%arg0: i32) -> (i32, i32) {
    %add3A = arith.constant 28 : i32
    %add3A_0 = arith.addi %arg0, %add3A : i32
    %c0_i32 = arith.constant 0 : i32
    %c0_i32_1 = arith.constant 0 : i32
    return %add3A_0, %c0_i32 : i32, i32
  }
  func.func @transform_2(%arg0: i32) -> (i32, i32) {
    %c0_i32 = arith.constant 0 : i32
    %c0_i32_0 = arith.constant 0 : i32
    %c0_i32_1 = arith.constant 0 : i32
    return %c0_i32, %c0_i32_0 : i32, i32
  }
  func.func @transform_3(%arg0: i32) -> (i32, i32) {
    %c0_i32 = arith.constant 0 : i32
    %c0_i32_0 = arith.constant 0 : i32
    %c0_i32_1 = arith.constant 0 : i32
    return %c0_i32, %c0_i32_0 : i32, i32
  }
}

module attributes {stable_mosaic.version = 14 : i64} {
  func.func @_combine_kernel(%arg0: memref<2x64x128xf32, #tpu.memory_space<vmem>>, %arg1: memref<2x64xf32, #tpu.memory_space<vmem>>, %arg2: memref<64x128xf32, #tpu.memory_space<vmem>>, %arg3: memref<1x64xf32, #tpu.memory_space<vmem>>, %arg4: memref<64x128xf32, #tpu.memory_space<vmem>>) attributes {dimension_semantics = [], scalar_prefetch = 0 : i64, scratch_operands = 0 : i64, tpu.core_type = #tpu.core_type<tc>} {
    %get3A = arith.constant 0 : index
    %get3A_0 = arith.constant 0 : index
    %get3A_1 = arith.constant 0 : index
    %get3A_2 = vector.load %arg0[%get3A, %get3A_0, %get3A_1] : memref<2x64x128xf32, #tpu.memory_space<vmem>>, vector<1x64x128xf32>
    %get3A_3 = vector.shape_cast %get3A_2 : vector<1x64x128xf32> to vector<64x128xf32>
    %get3A_4 = arith.constant 1 : index
    %get3A_5 = arith.constant 0 : index
    %get3A_6 = arith.constant 0 : index
    %get3A_7 = vector.load %arg0[%get3A_4, %get3A_5, %get3A_6] : memref<2x64x128xf32, #tpu.memory_space<vmem>>, vector<1x64x128xf32>
    %get3A_8 = vector.shape_cast %get3A_7 : vector<1x64x128xf32> to vector<64x128xf32>
    %add3A = arith.addf %get3A_3, %get3A_8 : vector<64x128xf32>
    %get3A_9 = arith.constant 0 : index
    %get3A_10 = arith.constant 0 : index
    %get3A_11 = vector.load %arg2[%get3A_9, %get3A_10] : memref<64x128xf32, #tpu.memory_space<vmem>>, vector<64x128xf32>
    %add3A_12 = arith.addf %add3A, %get3A_11 : vector<64x128xf32>
    %get3A_13 = arith.constant 0 : index
    %get3A_14 = arith.constant 0 : index
    %get3A_15 = vector.load %arg1[%get3A_13, %get3A_14] : memref<2x64xf32, #tpu.memory_space<vmem>>, vector<1x64xf32>
    %get3A_16 = vector.shape_cast %get3A_15 : vector<1x64xf32> to vector<64xf32>
    %get3A_17 = arith.constant 1 : index
    %get3A_18 = arith.constant 0 : index
    %get3A_19 = vector.load %arg1[%get3A_17, %get3A_18] : memref<2x64xf32, #tpu.memory_space<vmem>>, vector<1x64xf32>
    %get3A_20 = vector.shape_cast %get3A_19 : vector<1x64xf32> to vector<64xf32>
    %add3A_21 = arith.addf %get3A_16, %get3A_20 : vector<64xf32>
    %get3A_22 = arith.constant 0 : index
    %get3A_23 = arith.constant 0 : index
    %get3A_24 = vector.load %arg3[%get3A_22, %get3A_23] : memref<1x64xf32, #tpu.memory_space<vmem>>, vector<1x64xf32>
    %get3A_25 = vector.shape_cast %get3A_24 : vector<1x64xf32> to vector<64xf32>
    %add3A_26 = arith.addf %add3A_21, %get3A_25 : vector<64xf32>
    %max3A = arith.constant 1.000000e+00 : f32
    %max3A_27 = vector.broadcast %max3A : f32 to vector<64xf32>
    %max3A_28 = arith.maximumf %add3A_26, %max3A_27 : vector<64xf32>
    %broadcast_in_dim3A = vector.shape_cast %max3A_28 : vector<64xf32> to vector<64x1xf32>
    %div3A = vector.broadcast %broadcast_in_dim3A : vector<64x1xf32> to vector<64x128xf32>
    %div3A_29 = arith.divf %add3A_12, %div3A : vector<64x128xf32>
    %swap3A = arith.constant 0 : index
    %swap3A_30 = arith.constant 0 : index
    %swap3A_31 = vector.load %arg4[%swap3A, %swap3A_30] : memref<64x128xf32, #tpu.memory_space<vmem>>, vector<64x128xf32>
    tpu.vector_store %arg4[%swap3A, %swap3A_30], %div3A_29 {strides = array<i32>} : memref<64x128xf32, #tpu.memory_space<vmem>>, vector<64x128xf32>,
    return
  }
}

</mosaic_0001>

<sc_bundles>
// kernel: kernel.5.cloned.1.call-start
scs
__scs_entry_jumppad:
0x0: {  	(pc) =	sbr.rel $0x88, $3  }
0x1: {  	(tag) =	ssettag $0x0;
	lr =	simm.s32 $0x1  }
0x2: {  	[smem:$0x3F9F] =	sst lr;
	_ =	strace $0xD0000000  }
0x3: {  	_ = 	snop  }
0x4: {  	_ = 	snop  }
0x5: {  	_ = 	snop  }
0x6: {  	_ = 	snop  }
0x7: {  	_ = 	snop  }
__scs_overlays_trampoline_lowered:
0x8: {  	[smem:$0x3FAE] =	sst s0  }
0x9: {  	[smem:$0x3FAF] =	sst s1  }
0xa: {  	[smem:$0x3FB0] =	sst s2  }
0xb: {  	[smem:$0x3FB1] =	sst s3  }
0xc: {  	[smem:$0x3FB2] =	sst s4  }
0xd: {  	[smem:$0x3FB3] =	sst s5  }
0xe: {  	[smem:$0x3FB4] =	sst s6  }
0xf: {  	[smem:$0x3FB5] =	sst s7  }
0x10: {  	[smem:$0x3FB6] =	sst s8  }
0x11: {  	[smem:$0x3FB7] =	sst s9;
	s0 =	simm.s32 @!p0 $0x0  }
0x12: {  	s1 =	sld [smem:$0x3F9D];
	s0 =	simm.s32 @p0 $0x1  }
0x13: {  	[smem:$0x3FB8] =	sst s0;
	s0 =	simm.s32 @!p1 $0x0  }
0x14: {  	s2 =	sld [smem:$0x3F9C];
	s0 =	simm.s32 @p1 $0x1  }
0x15: {  	[smem:$0x3FB9] =	sst s0;
	s0 =	simm.s32 @!p2 $0x0  }
0x16: {  	s3 =	sld [smem:$0x3FDB];
	s0 =	simm.s32 @p2 $0x1  }
0x17: {  	s4 =	simm.s32 $0x1BF5;
	[smem:$0x3FBB] =	sst s0  }
0x18: {  	s0 =	sld [smem:$0x3F9E];
	_ =	swait.ge [sflag:s4], $0x0  }
0x19: {  	s7 =	sld [smem:$0x3F9F]  }
0x1a: {  	s8 =	sadd.s32 $0xFFFFE003, lr  }
0x1b: {  	s9 =	sadd.s32 $0xFFFFFEF7, lr;
	s5 =	simm.s32 $0xFFFFFFFF;
	p2 =	slt.u32 s8, $0xFFFFF086  }
0x1c: {  	p1 =	slt.u32 s9, $0xF7A;
	s5 =	simm.s32 @!p2 $0x0  }
0x1d: {  	s5 =	simm.s32 @p1 $0x1;
	p0 =	seq.s32 s7, s2  }
0x1e: {  	s7 =	smul.u32 @!p0 $0xF7A, s2;
	p2 =	seq.s32 @!p0 s5, $0x0  }
0x1f: {  	s9 =	smul.u32 $0xF7A, s1;
	s8 =	simm.s32 @!p0 $0x1BF5;
	p2 =	por !p2, p0  }
0x20: {  	[sflag:s8] =	ssyncset.s32 @!p0 $0xFFFFF086;
	s6 =	sadd.s32 @!p0 s3, s7;
	s7 =	simm.s32 @!p0 $0x108  }
0x21: {  	s3 =	sadd.s32 s3, s9;
	s6 =	sadd.s32 @!p0 $0x88, s6;
	s7 =	simm.s32 @p2 $0x1082  }
0x22: {  	[simem:s7], [sflag:s8] =	dma.local @!p0 [hbm:s6], $0xF7A  }
0x23: {  	s9 =	sor.u32 $0xD0000000, s2;
	s6 =	simm.s32 $0x108;
	_ =	swait.ge @!p0 [sflag:s8], $0x0  }
0x24: {  	s3 =	sadd.s32 $0x88, s3;
	s6 =	simm.s32 @!p1 $0x1082;
	[sflag:s4] =	ssyncset.s32 $0xFFFFF086  }
0x25: {  	[simem:s6], [sflag:s4] =	dma.local [hbm:s3], $0xF7A  }
0x26: {  	[smem:$0x3F9F] =	sst s1;
	(tag) =	ssettag s2;
	_ =	strace s9  }
0x27: {  	s1 =	sld [smem:$0x3FAF]  }
0x28: {  	s2 =	sld [smem:$0x3FB0]  }
0x29: {  	s4 =	sld [smem:$0x3FB2]  }
0x2a: {  	p0 =	seq.s32 s5, $0x0;
	s5 =	sld [smem:$0x3FB3]  }
0x2b: {  	s6 =	sld [smem:$0x3FB4]  }
0x2c: {  	s7 =	sld [smem:$0x3FB5]  }
0x2d: {  	s3 =	simm.s32 $0x108;
	s8 =	sld [smem:$0x3FB6]  }
0x2e: {  	s3 =	simm.s32 @!p0 $0x1082;
	s9 =	sld [smem:$0x3FB7]  }
0x2f: {  	lr =	sadd.s32 s0, s3;
	s0 =	sld [smem:$0x3FAE]  }
0x30: {  	s3 =	sld [smem:$0x3FB1]  }
0x31: {  	[smem:$0x3FBA] =	sst s10  }
0x32: {  	s10 =	sld [smem:$0x3FB8];
	_ =	sdelay $0x3  }
0x33: {  	p0 =	seq.s32 s10, $0x1;
	s10 =	sld [smem:$0x3FBA];
	_ =	sdelay $0x3  }
0x34: {  	[smem:$0x3FBA] =	sst s10  }
0x35: {  	s10 =	sld [smem:$0x3FB9];
	_ =	sdelay $0x3  }
0x36: {  	p1 =	seq.s32 s10, $0x1;
	s10 =	sld [smem:$0x3FBA];
	_ =	sdelay $0x3  }
0x37: {  	[smem:$0x3FBA] =	sst s10  }
0x38: {  	s10 =	sld [smem:$0x3FBB]  }
0x39: {  	_ = 	snop;
	(pc) =	sbr.ind lr, $3  }
0x3a: {  	_ = 	snop  }
0x3b: {  	_ = 	snop  }
0x3c: {  	p2 =	seq.s32 s10, $0x1;
	s10 =	sld [smem:$0x3FBA]  }
0x3d: {  	_ =	shalt  }
0x3e: {  	_ =	shalt  }
0x3f: {  	_ =	shalt  }
0x40: {  	_ =	shalt  }
0x41: {  	_ =	shalt  }
0x42: {  	_ =	shalt  }
0x43: {  	_ =	shalt  }
0x44: {  	_ =	shalt  }
0x45: {  	_ =	shalt  }
0x46: {  	_ =	shalt  }
0x47: {  	_ =	shalt  }
0x48: {  	_ =	shalt  }
0x49: {  	_ =	shalt  }
0x4a: {  	_ =	shalt  }
0x4b: {  	_ =	shalt  }
0x4c: {  	_ =	shalt  }
0x4d: {  	_ =	shalt  }
0x4e: {  	_ =	shalt  }
0x4f: {  	_ =	shalt  }
0x50: {  	_ =	shalt  }
0x51: {  	_ =	shalt  }
0x52: {  	_ =	shalt  }
0x53: {  	_ =	shalt  }
0x54: {  	_ =	shalt  }
0x55: {  	_ =	shalt  }
0x56: {  	_ =	shalt  }
0x57: {  	_ =	shalt  }
0x58: {  	_ =	shalt  }
0x59: {  	_ =	shalt  }
0x5a: {  	_ =	shalt  }
0x5b: {  	_ =	shalt  }
0x5c: {  	_ =	shalt  }
0x5d: {  	_ =	shalt  }
0x5e: {  	_ =	shalt  }
0x5f: {  	_ =	shalt  }
0x60: {  	_ =	shalt  }
0x61: {  	_ =	shalt  }
0x62: {  	_ =	shalt  }
0x63: {  	_ =	shalt  }
0x64: {  	_ =	shalt  }
0x65: {  	_ =	shalt  }
0x66: {  	_ =	shalt  }
0x67: {  	_ =	shalt  }
0x68: {  	_ =	shalt  }
0x69: {  	_ =	shalt  }
0x6a: {  	_ =	shalt  }
0x6b: {  	_ =	shalt  }
0x6c: {  	_ =	shalt  }
0x6d: {  	_ =	shalt  }
0x6e: {  	_ =	shalt  }
0x6f: {  	_ =	shalt  }
0x70: {  	_ =	shalt  }
0x71: {  	_ =	shalt  }
0x72: {  	_ =	shalt  }
0x73: {  	_ =	shalt  }
0x74: {  	_ =	shalt  }
0x75: {  	_ =	shalt  }
0x76: {  	_ =	shalt  }
0x77: {  	_ =	shalt  }
0x78: {  	_ =	shalt  }
0x79: {  	_ =	shalt  }
0x7a: {  	_ =	shalt  }
0x7b: {  	_ =	shalt  }
0x7c: {  	_ =	shalt  }
0x7d: {  	_ =	shalt  }
0x7e: {  	_ =	shalt  }
0x7f: {  	_ =	shalt  }
0x80: {  	_ =	shalt  }
0x81: {  	_ =	shalt  }
0x82: {  	_ =	shalt  }
0x83: {  	_ =	shalt  }
0x84: {  	_ =	shalt  }
0x85: {  	_ =	shalt  }
0x86: {  	_ =	shalt  }
0x87: {  	_ =	shalt  }
.Lfunc_end0:
.L_simem_size_0:
called_computation_lowered:
.L_overlay_start_0:
0x88: {  	s2 =	sld [smem:$0x3FD9]  }
0x89: {  	s3 =	sld [smem:$0x3FFE];
	_ =	sdelay $0x1  }
0x8a: {  	s1 =	srdreg.scid  }
0x8b: {  	s0 =	sand.u32 $0x1, s1  }
0x8c: {  	s17 =	sshll.u32 s0, $0xA;
	s2 =	sadd.s32 s3, s2  }
0x8d: {  	s2 =	sadd.s32 s2, s17  }
0x8e: {  	[smem:$0x3FC6] =	sst s2  }
0x8f: {  	_ = 	snop  }
0x90: {  	s2 =	sld [smem:$0x3FC9]  }
0x91: {  	s18 =	sld [smem:$0x3FC8]  }
0x92: {  	s4 =	sld [smem:$0x3FD0];
	(tm) =	ssettm $0x1  }
0x93: {  	s5 =	sld [smem:$0x3FFB];
	_ =	sdelay $0x3  }
0x94: {  	_ =	strace s5  }
0x95: {  	s5 =	sld [smem:$0x3FFC];
	_ =	sdelay $0x3  }
0x96: {  	_ =	strace s5  }
0x97: {  	s5 =	sld [smem:$0x3FFD];
	_ =	sdelay $0x3  }
0x98: {  	_ =	strace s5  }
0x99: {  	_ =	strace $0x8FFFFFFF  }
0x9a: {  	s19 =	sld [smem:$0x3FDB];
	_ =	sdelay $0x1  }
0x9b: {  	s6 =	simm.s32 $_scs_section_size  }
0x9c: {  	s7 =	simm.s32 $_size__tile_overlayer_lowered;
	s8 =	simm.s32 $_tile_overlayer_lowered  }
0x9d: {  	s22 =	simm.s32 $0x1BFF;
	s21 =	sshll.u32 s8, $0x1;
	s5 =	sadd.s32 s6, s19  }
0x9e: {  	s9 =	simm.s32 $0x0;
	s20 =	sshll.u32 s7, $0x1;
	s7 =	sadd.s32 s21, s5  }
0x9f: {  	[timem:s9], [sflag:s22] =	dma.local [hbm:s7], s20  }
0xa0: {  	_ =	swait.ge [sflag:s22], s20  }
0xa1: {  	s6 =	ssub.s32 $0x0, s20;
	[sflag:s22] =	ssyncset.done $0x0  }
0xa2: {  	[sflag:s22] =	ssyncadd.s32 s6;
	_ =	sdelay $0x1  }
0xa3: {  	s23 =	simm.s32 $0x1B8B  }
0xa4: {  	_ =	swait.ge [sflag:s23], $0x1  }
0xa5: {  	[sflag:s23] =	ssyncset.done $0x0  }
0xa6: {  	s25 =	simm.s32 $0x1B8E;
	s24 =	sld [smem:$0x3FFE];
	[sflag:s23] =	ssyncadd.s32 $0xFFFFFFFF  }
0xa7: {  	s26 =	simm.s32 $execute0_lowered;
	[smem:$0x3FD2] =	sst s25  }
0xa8: {  	s7 =	sshll.u32 s26, $0x1;
	_ =	strace $0x80000046;
	[dreg:$0x1] =	wrdreg $0xFFFFFFFF  }
0xa9: {  	s28 =	simm.s32 $_size_execute0_lowered;
	s5 =	sadd.s32 s5, s7;
	[dreg:$0x0] =	wrdreg $0x0  }
0xaa: {  	s7 =	sshll.u32 s28, $0x1;
	[dreg:$0x2] =	wrdreg s5  }
0xab: {  	[dreg:$0x3] =	wrdreg s7  }
0xac: {  	[dreg:$0x4] =	wrdreg $0xC0  }
0xad: {  	_ =	task [dreg:s9], $0x5FFFF  }
0xae: {  	[dreg:$0x1] =	wrdreg $0xFFFFFFFF  }
0xaf: {  	[dreg:$0x0] =	wrdreg $0x60  }
0xb0: {  	[dreg:$0x2] =	wrdreg s2  }
0xb1: {  	[dreg:$0x3] =	wrdreg s18  }
0xb2: {  	[dreg:$0x4] =	wrdreg s24  }
0xb3: {  	[dreg:$0x5] =	wrdreg s4  }
0xb4: {  	[dreg:$0x6] =	wrdreg $0x1B6000  }
0xb5: {  	[dreg:$0x7] =	wrdreg $0x1B8000  }
0xb6: {  	[dreg:$0x8] =	wrdreg $0x9  }
0xb7: {  	_ =	task.clear_ibuf [dreg:s9], $0x9FFFF;
	_ =	strace $0x90000046  }
0xb8: {  	s29 =	simm.s32 $0x9;
	_ =	strace $0x80000048  }
0xb9: {  	_ =	swait.ge [sflag:s29], $0x1  }
0xba: {  	[sflag:s29] =	ssyncadd.s32 $0xFFFFFFFF  }
0xbb: {  	_ =	strace $0x90000048  }
0xbc: {  	_ =	sfence  }
0xbd: {  	s30 =	sld [smem:$0x0];
	_ =	sdelay $0x2  }
0xbe: {  	s31 =	sshll.u32 s1, $0xD;
	s1 =	sshrl.u32 s1, $0x2  }
0xbf: {  	s3 =	sand.u32 $0x4000, s31;
	s1 =	sadd.s32 s1, s30  }
0xc0: {  	s0 =	sor.u32 s3, s0;
	s1 =	sshll.u32 s1, $0x11  }
0xc1: {  	s0 =	sor.u32 s1, s0  }
0xc2: {  	s0 =	sadd.s32 $0x8F2B, s0  }
0xc3: {  	[sflag:s0] =	ssyncadd.remote.s32 $0x1  }
0xc4: {  	_ =	sfence.sel $0xFFFF  }
0xc5: {  	[dreg:$0x0] =	wrdreg $0xFFFFFFFF;
	(pc) =	sbr.abs _section_cstart, $3  }
0xc6: {  	[dreg:$0x1] =	wrdreg $0xFFFFFFFF  }
0xc7: {  	_ =	task.clear_ibuf [dreg:s9], $0x2FFFF;
	_ =	strace $0x9FFFFFFF  }
0xc8: {  	(tm) =	ssettm $0x7FFFFFFF  }
0xc9: {  	_ =	shalt  }
tec
execute0_lowered:
.L_overlay_start_1:
0x0: {  	(tag) =	ssettag $0x1  }
0x1: {  	s0 =	rddreg [dreg:$0x0]  }
0x2: {  	s4 =	rddreg [dreg:$0x1]  }
0x3: {  	s5 =	rddreg [dreg:$0x2]  }
0x4: {  	s6 =	rddreg [dreg:$0x3]  }
0x5: {  	s1 =	rddreg [dreg:$0x4]  }
0x6: {  	s2 =	rddreg [dreg:$0x5]  }
0x7: {  	s7 =	srdreg.scid;
	s8 =	stileid.u32  }
0x8: {  	s3 =	simm.s32 $0x0;
	s7 =	sand.u32 $0x1, s7;
	s9 =	sshll.u32 s8, $0x1  }
0x9: {  	[smem:$0x7FF] =	sst s3;
	s9 =	sor.u32 s7, s9  }
0xa: {  	_ =	strace $0x80000047;
	s12 =	sshll.u32 s7, $0xA;
	s11 =	smul.u32 $0x190, s9  }
0xb: {  	s14 =	smul.u32 $0x1900, s9;
	s5 =	sadd.s32 s12, s5;
	s18 =	sor.u32 $0x20, s9  }
0xc: {  	s22 =	sor.u32 $0x40, s9;
	s26 =	sor.u32 $0x60, s9;
	s20 =	smul.u32 $0x190, s18  }
0xd: {  	s21 =	smul.u32 $0x1900, s18;
	s19 =	sadd.s32 s0, s14;
	s11 =	sshrl.u32 s11, $0x3  }
0xe: {  	s12 =	smul.u32 $0x1900, s22;
	[dreg:$0x7] =	wrdreg s19;
	s16 =	sadd.s32 s4, s11  }
0xf: {  	s18 =	smul.u32 $0x1900, s26;
	s11 =	sadd.s32 s0, s21;
	[dreg:$0x8] =	wrdreg s16  }
0x10: {  	s10 =	ssub.s32 $0x2, s7;
	s12 =	sadd.s32 s0, s12;
	[dreg:$0xe] =	wrdreg s11  }
0x11: {  	s13 =	sshrl.u32 s10, $0x1;
	s21 =	sadd.s32 s0, s18;
	[dreg:$0x10] =	wrdreg s12  }
0x12: {  	s9 =	sor.u32 $0x80, s9;
	s23 =	sadd.s32 $0xA, s16;
	[dreg:$0x11] =	wrdreg s21  }
0x13: {  	s10 =	ssub.s32 s10, s13;
	s24 =	sadd.s32 $0x14, s16;
	[dreg:$0x9] =	wrdreg s23  }
0x14: {  	s25 =	smul.u32 $0x190, s22;
	s15 =	sadd.s32 $0x1E, s16;
	[dreg:$0xa] =	wrdreg s24  }
0x15: {  	s13 =	sshrl.u32 s20, $0x3;
	s16 =	sadd.s32 $0x28, s16;
	[dreg:$0xb] =	wrdreg s15  }
0x16: {  	s20 =	smul.u32 $0x1900, s9;
	s17 =	sadd.s32 s4, s13;
	[dreg:$0xc] =	wrdreg s16  }
0x17: {  	s30 =	smul.u32 $0x190, s26;
	s19 =	sadd.s32 $0xA, s17;
	[dreg:$0xd] =	wrdreg s17  }
0x18: {  	s0 =	sadd.s32 s0, s20;
	s22 =	sadd.s32 $0x14, s17;
	[dreg:$0xf] =	wrdreg s19  }
0x19: {  	s23 =	sshrl.u32 s25, $0x3;
	s25 =	sshrl.u32 s30, $0x3;
	[dreg:$0x12] =	wrdreg s0  }
0x1a: {  	s30 =	sshll.u32 s7, $0x4;
	s7 =	sadd.s32 $0x1E, s17;
	[dreg:$0x13] =	wrdreg s22  }
0x1b: {  	s13 =	sadd.s32 $0x28, s17;
	[dreg:$0x15] =	wrdreg s7  }
0x1c: {  	s28 =	simm.s32 $0x50;
	s15 =	sadd.s32 $0xE00, s5;
	[dreg:$0x17] =	wrdreg s13  }
0x1d: {  	s29 =	simm.s32 $0x19500;
	s16 =	smax.u32 s10, $0x1;
	[dreg:$0x19] =	wrdreg s15  }
0x1e: {  	s9 =	smul.u32 $0x190, s9;
	s0 =	sadd.s32 s6, s30;
	[dreg:$0x1a] =	wrdreg s16  }
0x1f: {  	s31 =	simm.s32 $0x4;
	s24 =	sadd.s32 s4, s23;
	[dreg:$0x16] =	wrdreg s0  }
0x20: {  	s9 =	sshrl.u32 s9, $0x3;
	s26 =	sadd.s32 s4, s25;
	[dreg:$0x14] =	wrdreg s24  }
0x21: {  	p0 =	sne.s32 s8, $0x0;
	s9 =	sadd.s32 s4, s9;
	[smem:$0x7F7] =	sst s26  }
0x22: {  	p1 =	sgt.u32 s8, $0x5;
	s14 =	sadd.s32 $0xA, s24;
	[smem:$0x7FC] =	sst s9  }
0x23: {  	p2 =	slt.u32 s8, $0x6;
	s17 =	sadd.s32 $0x14, s24;
	[dreg:$0x18] =	wrdreg s14  }
0x24: {  	p3 =	sne.s32 @p2 s8, $0x0;
	s18 =	sadd.s32 $0x1E, s24;
	[dreg:$0x1b] =	wrdreg s17  }
0x25: {  	p3 =	por p3, !p2;
	s19 =	sadd.s32 $0x28, s24;
	[dreg:$0x1c] =	wrdreg s18  }
0x26: {  	s12 =	simm.s32 $0xC800;
	s20 =	sadd.s32 $0xA, s26;
	[dreg:$0x1d] =	wrdreg s19  }
0x27: {  	s11 =	simm.s32 $0x14000;
	s21 =	sadd.s32 $0x14, s26;
	[dreg:$0x1e] =	wrdreg s20  }
0x28: {  	s13 =	simm.s32 $0x19080;
	s22 =	sadd.s32 $0x1E, s26;
	[dreg:$0x1f] =	wrdreg s21  }
0x29: {  	s15 =	simm.s32 $0x19180;
	s23 =	sadd.s32 $0x28, s26;
	[smem:$0x7F6] =	sst s22  }
0x2a: {  	s16 =	simm.s32 $0x19200;
	s24 =	sadd.s32 $0xA, s9;
	[smem:$0x7F8] =	sst s23  }
0x2b: {  	s6 =	simm.s32 $0x3;
	s25 =	sadd.s32 $0x14, s9;
	[smem:$0x7F9] =	sst s24  }
0x2c: {  	s7 =	simm.s32 $0x2;
	s26 =	sadd.s32 $0x1E, s9;
	[smem:$0x7FA] =	sst s25  }
.Ltmp0:
0x2d: {  	s30 =	sadd.s32 $0x28, s9;
	[smem:$0x7FB] =	sst s26;
	(pc) =	sbr.rel .LBB2_1-.Ltmp0, $4  }
0x2e: {  	s0 =	simm.s32 $0x0;
	[smem:$0x7FD] =	sst s30;
	s14 =	simm.s32 $0x19100  }
0x2f: {  	s21 =	simm.s32 $0x19280;
	s22 =	simm.s32 $0x19300;
	s23 =	simm.s32 $0x19380  }
0x30: {  	s24 =	simm.s32 $0x19400;
	s25 =	simm.s32 $0x19480;
	s26 =	simm.s32 $0x1  }
0x31: {  	v0 =	vimm.f32 $1.000000000e+00;
	v1 =	vimm.f32 $0.0e+00;
	s18 =	simm.s32 $0xF000;
	s19 =	simm.s32 $0x11800;
	s20 =	simm.s32 $0x16800  }
.LBB2_5:
0x32: {  	[bflag:$0x0] =	sbarrier.arrive $0xFFFF  }
0x33: {  	s4 =	rddreg [dreg:$0x7]  }
0x34: {  	[tilespmem:s3], [sflag:$0x1] =	stream.linear.gather [hbm4b:s4+s3], $0xC800, $0x38;
	[tilespmem:$0x1B808] =	vst v63  }
0x35: {  	s17 =	simm.s32 $0x19000;
	s10 =	rddreg [dreg:$0x8]  }
0x36: {  	[tilespmem:s17], [sflag:$0x1] =	stream.linear.gather [hbm4b:s10+s3], $0x50, $0x38;
	[tilespmem:$0x1B808] =	vst v63  }
0x37: {  	s30 =	rddreg [dreg:$0x9]  }
0x38: {  	[tilespmem:s13], [sflag:$0x1] =	stream.linear.gather [hbm4b:s30+s3], $0x50, $0x38;
	[tilespmem:$0x1B808] =	vst v63  }
0x39: {  	s5 =	rddreg [dreg:$0xa]  }
0x3a: {  	[tilespmem:s14], [sflag:$0x1] =	stream.linear.gather [hbm4b:s5+s3], $0x50, $0x38;
	[tilespmem:$0x1B808] =	vst v63  }
0x3b: {  	s8 =	rddreg [dreg:$0xb]  }
0x3c: {  	[tilespmem:s15], [sflag:$0x1] =	stream.linear.gather [hbm4b:s8+s3], $0x50, $0x38;
	[tilespmem:$0x1B808] =	vst v63  }
0x3d: {  	s9 =	rddreg [dreg:$0xc]  }
0x3e: {  	[tilespmem:s16], [sflag:$0x1] =	stream.linear.gather [hbm4b:s9+s3], $0x50, $0x38;
	[tilespmem:$0x1B808] =	vst v63  }
0x3f: {  	s10 =	rddreg [dreg:$0xe]  }
0x40: {  	[tilespmem:s12], [sflag:$0x2] =	stream.linear.gather [hbm4b:s10+s3], $0xC800, $0x38;
	[tilespmem:$0x1B808] =	vst v63  }
0x41: {  	s30 =	rddreg [dreg:$0xd]  }
0x42: {  	[tilespmem:s21], [sflag:$0x2] =	stream.linear.gather [hbm4b:s30+s3], $0x50, $0x38;
	[tilespmem:$0x1B808] =	vst v63  }
0x43: {  	s5 =	rddreg [dreg:$0xf]  }
0x44: {  	[tilespmem:s22], [sflag:$0x2] =	stream.linear.gather [hbm4b:s5+s3], $0x50, $0x38;
	[tilespmem:$0x1B808] =	vst v63  }
0x45: {  	s8 =	rddreg [dreg:$0x13]  }
0x46: {  	[tilespmem:s23], [sflag:$0x2] =	stream.linear.gather [hbm4b:s8+s3], $0x50, $0x38;
	[tilespmem:$0x1B808] =	vst v63  }
0x47: {  	s9 =	rddreg [dreg:$0x15]  }
0x48: {  	[tilespmem:s24], [sflag:$0x2] =	stream.linear.gather [hbm4b:s9+s3], $0x50, $0x38;
	[tilespmem:$0x1B808] =	vst v63  }
0x49: {  	s10 =	rddreg [dreg:$0x17]  }
0x4a: {  	[tilespmem:s25], [sflag:$0x2] =	stream.linear.gather [hbm4b:s10+s3], $0x50, $0x38;
	[tilespmem:$0x1B808] =	vst v63  }
0x4b: {  	_ =	swait.ge [sflag:s26], $0xC800  }
0x4c: {  	[sflag:s26] =	ssyncset.done $0x0  }
0x4d: {  	[sflag:s26] =	ssyncadd.s32 $0xFFFF3800  }
0x4e: {  	_ =	swait.ge [sflag:s26], $0x50  }
0x4f: {  	[sflag:s26] =	ssyncset.done $0x0  }
0x50: {  	[sflag:s26] =	ssyncadd.s32 $0xFFFFFFB0  }
0x51: {  	_ =	swait.ge [sflag:s26], $0x50  }
0x52: {  	[sflag:s26] =	ssyncset.done $0x0  }
0x53: {  	[sflag:s26] =	ssyncadd.s32 $0xFFFFFFB0  }
0x54: {  	_ =	swait.ge [sflag:s26], $0x50  }
0x55: {  	[sflag:s26] =	ssyncset.done $0x0  }
0x56: {  	[sflag:s26] =	ssyncadd.s32 $0xFFFFFFB0  }
0x57: {  	_ =	swait.ge [sflag:s26], $0x50  }
0x58: {  	[sflag:s26] =	ssyncset.done $0x0  }
0x59: {  	[sflag:s26] =	ssyncadd.s32 $0xFFFFFFB0  }
0x5a: {  	_ =	swait.ge [sflag:s26], $0x50  }
0x5b: {  	[sflag:s26] =	ssyncset.done $0x0  }
0x5c: {  	[sflag:s26] =	ssyncadd.s32 $0xFFFFFFB0  }
0x5d: {  	[spmem:s1] =	stream.indirect.scatter.add.f32 [tilespmem:s3], [sflag:$0x3], $0x80, s17, s28, $0xb8;
	[tilespmem:$0x1B808] =	vst v63  }
0x5e: {  	_ = 	snop  }
0x5f: {  	[spmem:s2] =	stream.indirect.scatter.add.f32 [tilespmem:s29], [sflag:$0x3], $0x1, s17, s28, $0xb8;
	[tilespmem:$0x1B808] =	vst v63  }
0x60: {  	s5 =	simm.s32 $0x2800  }
0x61: {  	[spmem:s1] =	stream.indirect.scatter.add.f32 [tilespmem:s5], [sflag:$0x3], $0x80, s13, s28, $0xb8;
	[tilespmem:$0x1B808] =	vst v63  }
0x62: {  	_ = 	snop  }
0x63: {  	[spmem:s2] =	stream.indirect.scatter.add.f32 [tilespmem:s29], [sflag:$0x3], $0x1, s13, s28, $0xb8;
	[tilespmem:$0x1B808] =	vst v63  }
0x64: {  	s8 =	simm.s32 $0x5000  }
0x65: {  	[spmem:s1] =	stream.indirect.scatter.add.f32 [tilespmem:s8], [sflag:$0x3], $0x80, s14, s28, $0xb8;
	[tilespmem:$0x1B808] =	vst v63  }
0x66: {  	_ = 	snop  }
0x67: {  	[spmem:s2] =	stream.indirect.scatter.add.f32 [tilespmem:s29], [sflag:$0x3], $0x1, s14, s28, $0xb8;
	[tilespmem:$0x1B808] =	vst v63  }
0x68: {  	s9 =	simm.s32 $0x7800  }
0x69: {  	[spmem:s1] =	stream.indirect.scatter.add.f32 [tilespmem:s9], [sflag:$0x3], $0x80, s15, s28, $0xb8;
	[tilespmem:$0x1B808] =	vst v63  }
0x6a: {  	_ = 	snop  }
0x6b: {  	[spmem:s2] =	stream.indirect.scatter.add.f32 [tilespmem:s29], [sflag:$0x3], $0x1, s15, s28, $0xb8;
	[tilespmem:$0x1B808] =	vst v63  }
0x6c: {  	s10 =	simm.s32 $0xA000  }
0x6d: {  	[spmem:s1] =	stream.indirect.scatter.add.f32 [tilespmem:s10], [sflag:$0x3], $0x80, s16, s28, $0xb8;
	[tilespmem:$0x1B808] =	vst v63  }
0x6e: {  	_ = 	snop  }
0x6f: {  	[spmem:s2] =	stream.indirect.scatter.add.f32 [tilespmem:s29], [sflag:$0x3], $0x1, s16, s28, $0xb8;
	[tilespmem:$0x1B808] =	vst v63  }
0x70: {  	_ =	swait.ge [sflag:s6], $0x2800  }
0x71: {  	[sflag:s6] =	ssyncset.done $0x0  }
0x72: {  	[sflag:s6] =	ssyncadd.s32 $0xFFFFD800  }
0x73: {  	_ =	swait.ge [sflag:s6], $0x50  }
0x74: {  	[sflag:s6] =	ssyncset.done $0x0  }
0x75: {  	[sflag:s6] =	ssyncadd.s32 $0xFFFFFFB0  }
0x76: {  	_ =	swait.ge [sflag:s6], $0x2800  }
0x77: {  	[sflag:s6] =	ssyncset.done $0x0  }
0x78: {  	[sflag:s6] =	ssyncadd.s32 $0xFFFFD800  }
0x79: {  	_ =	swait.ge [sflag:s6], $0x50  }
0x7a: {  	[sflag:s6] =	ssyncset.done $0x0  }
0x7b: {  	[sflag:s6] =	ssyncadd.s32 $0xFFFFFFB0  }
0x7c: {  	_ =	swait.ge [sflag:s6], $0x2800  }
0x7d: {  	[sflag:s6] =	ssyncset.done $0x0  }
0x7e: {  	[sflag:s6] =	ssyncadd.s32 $0xFFFFD800  }
0x7f: {  	_ =	swait.ge [sflag:s6], $0x50  }
0x80: {  	[sflag:s6] =	ssyncset.done $0x0  }
0x81: {  	[sflag:s6] =	ssyncadd.s32 $0xFFFFFFB0  }
0x82: {  	_ =	swait.ge [sflag:s6], $0x2800  }
0x83: {  	[sflag:s6] =	ssyncset.done $0x0  }
0x84: {  	[sflag:s6] =	ssyncadd.s32 $0xFFFFD800  }
0x85: {  	_ =	swait.ge [sflag:s6], $0x50  }
0x86: {  	[sflag:s6] =	ssyncset.done $0x0  }
0x87: {  	[sflag:s6] =	ssyncadd.s32 $0xFFFFFFB0  }
0x88: {  	_ =	swait.ge [sflag:s6], $0x2800  }
0x89: {  	[sflag:s6] =	ssyncset.done $0x0  }
0x8a: {  	[sflag:s6] =	ssyncadd.s32 $0xFFFFD800  }
0x8b: {  	_ =	swait.ge [sflag:s6], $0x50  }
0x8c: {  	[sflag:s6] =	ssyncset.done $0x0  }
0x8d: {  	s30 =	rddreg [dreg:$0x10];
	[sflag:s6] =	ssyncadd.s32 $0xFFFFFFB0  }
0x8e: {  	[tilespmem:s3], [sflag:$0x1] =	stream.linear.gather [hbm4b:s30+s3], $0xC800, $0x38;
	[tilespmem:$0x1B808] =	vst v63  }
0x8f: {  	s30 =	rddreg [dreg:$0x14]  }
0x90: {  	[tilespmem:s17], [sflag:$0x1] =	stream.linear.gather [hbm4b:s30+s3], $0x50, $0x38;
	[tilespmem:$0x1B808] =	vst v63  }
0x91: {  	s30 =	rddreg [dreg:$0x18]  }
0x92: {  	[tilespmem:s13], [sflag:$0x1] =	stream.linear.gather [hbm4b:s30+s3], $0x50, $0x38;
	[tilespmem:$0x1B808] =	vst v63  }
0x93: {  	s30 =	rddreg [dreg:$0x1b]  }
0x94: {  	[tilespmem:s14], [sflag:$0x1] =	stream.linear.gather [hbm4b:s30+s3], $0x50, $0x38;
	[tilespmem:$0x1B808] =	vst v63  }
0x95: {  	s30 =	rddreg [dreg:$0x1c]  }
0x96: {  	[tilespmem:s15], [sflag:$0x1] =	stream.linear.gather [hbm4b:s30+s3], $0x50, $0x38;
	[tilespmem:$0x1B808] =	vst v63  }
0x97: {  	s30 =	rddreg [dreg:$0x1d]  }
0x98: {  	[tilespmem:s16], [sflag:$0x1] =	stream.linear.gather [hbm4b:s30+s3], $0x50, $0x38;
	[tilespmem:$0x1B808] =	vst v63  }
0x99: {  	_ =	swait.ge [sflag:s7], $0xC800  }
0x9a: {  	[sflag:s7] =	ssyncset.done $0x0  }
0x9b: {  	[sflag:s7] =	ssyncadd.s32 $0xFFFF3800  }
0x9c: {  	_ =	swait.ge [sflag:s7], $0x50  }
0x9d: {  	[sflag:s7] =	ssyncset.done $0x0  }
0x9e: {  	[sflag:s7] =	ssyncadd.s32 $0xFFFFFFB0  }
0x9f: {  	_ =	swait.ge [sflag:s7], $0x50  }
0xa0: {  	[sflag:s7] =	ssyncset.done $0x0  }
0xa1: {  	[sflag:s7] =	ssyncadd.s32 $0xFFFFFFB0  }
0xa2: {  	_ =	swait.ge [sflag:s7], $0x50  }
0xa3: {  	[sflag:s7] =	ssyncset.done $0x0  }
0xa4: {  	[sflag:s7] =	ssyncadd.s32 $0xFFFFFFB0  }
0xa5: {  	_ =	swait.ge [sflag:s7], $0x50  }
0xa6: {  	[sflag:s7] =	ssyncset.done $0x0  }
0xa7: {  	[sflag:s7] =	ssyncadd.s32 $0xFFFFFFB0  }
0xa8: {  	_ =	swait.ge [sflag:s7], $0x50  }
0xa9: {  	[sflag:s7] =	ssyncset.done $0x0  }
0xaa: {  	[sflag:s7] =	ssyncadd.s32 $0xFFFFFFB0  }
0xab: {  	[spmem:s1] =	stream.indirect.scatter.add.f32 [tilespmem:s12], [sflag:$0x4], $0x80, s21, s28, $0xb8;
	[tilespmem:$0x1B808] =	vst v63  }
0xac: {  	_ = 	snop  }
0xad: {  	[spmem:s2] =	stream.indirect.scatter.add.f32 [tilespmem:s29], [sflag:$0x4], $0x1, s21, s28, $0xb8;
	[tilespmem:$0x1B808] =	vst v63  }
0xae: {  	_ = 	snop  }
0xaf: {  	[spmem:s1] =	stream.indirect.scatter.add.f32 [tilespmem:s18], [sflag:$0x4], $0x80, s22, s28, $0xb8;
	[tilespmem:$0x1B808] =	vst v63  }
0xb0: {  	_ = 	snop  }
0xb1: {  	[spmem:s2] =	stream.indirect.scatter.add.f32 [tilespmem:s29], [sflag:$0x4], $0x1, s22, s28, $0xb8;
	[tilespmem:$0x1B808] =	vst v63  }
0xb2: {  	_ = 	snop  }
0xb3: {  	[spmem:s1] =	stream.indirect.scatter.add.f32 [tilespmem:s19], [sflag:$0x4], $0x80, s23, s28, $0xb8;
	[tilespmem:$0x1B808] =	vst v63  }
0xb4: {  	_ = 	snop  }
0xb5: {  	[spmem:s2] =	stream.indirect.scatter.add.f32 [tilespmem:s29], [sflag:$0x4], $0x1, s23, s28, $0xb8;
	[tilespmem:$0x1B808] =	vst v63  }
0xb6: {  	_ = 	snop  }
0xb7: {  	[spmem:s1] =	stream.indirect.scatter.add.f32 [tilespmem:s11], [sflag:$0x4], $0x80, s24, s28, $0xb8;
	[tilespmem:$0x1B808] =	vst v63  }
0xb8: {  	_ = 	snop  }
0xb9: {  	[spmem:s2] =	stream.indirect.scatter.add.f32 [tilespmem:s29], [sflag:$0x4], $0x1, s24, s28, $0xb8;
	[tilespmem:$0x1B808] =	vst v63  }
0xba: {  	_ = 	snop  }
0xbb: {  	[spmem:s1] =	stream.indirect.scatter.add.f32 [tilespmem:s20], [sflag:$0x4], $0x80, s25, s28, $0xb8;
	[tilespmem:$0x1B808] =	vst v63  }
0xbc: {  	_ = 	snop  }
0xbd: {  	[spmem:s2] =	stream.indirect.scatter.add.f32 [tilespmem:s29], [sflag:$0x4], $0x1, s25, s28, $0xb8;
	[tilespmem:$0x1B808] =	vst v63  }
0xbe: {  	_ =	swait.ge [sflag:s31], $0x2800  }
0xbf: {  	[sflag:s31] =	ssyncset.done $0x0  }
0xc0: {  	[sflag:s31] =	ssyncadd.s32 $0xFFFFD800  }
0xc1: {  	_ =	swait.ge [sflag:s31], $0x50  }
0xc2: {  	[sflag:s31] =	ssyncset.done $0x0  }
0xc3: {  	[sflag:s31] =	ssyncadd.s32 $0xFFFFFFB0  }
0xc4: {  	_ =	swait.ge [sflag:s31], $0x2800  }
0xc5: {  	[sflag:s31] =	ssyncset.done $0x0  }
0xc6: {  	[sflag:s31] =	ssyncadd.s32 $0xFFFFD800  }
0xc7: {  	_ =	swait.ge [sflag:s31], $0x50  }
0xc8: {  	[sflag:s31] =	ssyncset.done $0x0  }
0xc9: {  	[sflag:s31] =	ssyncadd.s32 $0xFFFFFFB0  }
0xca: {  	_ =	swait.ge [sflag:s31], $0x2800  }
0xcb: {  	[sflag:s31] =	ssyncset.done $0x0  }
0xcc: {  	[sflag:s31] =	ssyncadd.s32 $0xFFFFD800  }
0xcd: {  	_ =	swait.ge [sflag:s31], $0x50  }
0xce: {  	[sflag:s31] =	ssyncset.done $0x0  }
0xcf: {  	[sflag:s31] =	ssyncadd.s32 $0xFFFFFFB0  }
0xd0: {  	_ =	swait.ge [sflag:s31], $0x2800  }
0xd1: {  	[sflag:s31] =	ssyncset.done $0x0  }
0xd2: {  	[sflag:s31] =	ssyncadd.s32 $0xFFFFD800  }
0xd3: {  	_ =	swait.ge [sflag:s31], $0x50  }
0xd4: {  	[sflag:s31] =	ssyncset.done $0x0  }
0xd5: {  	[sflag:s31] =	ssyncadd.s32 $0xFFFFFFB0  }
0xd6: {  	_ =	swait.ge [sflag:s31], $0x2800  }
0xd7: {  	[sflag:s31] =	ssyncset.done $0x0  }
0xd8: {  	[sflag:s31] =	ssyncadd.s32 $0xFFFFD800  }
0xd9: {  	_ =	swait.ge [sflag:s31], $0x50  }
0xda: {  	[sflag:s31] =	ssyncset.done $0x0  }
0xdb: {  	s30 =	rddreg [dreg:$0x11];
	[sflag:s31] =	ssyncadd.s32 $0xFFFFFFB0  }
0xdc: {  	[tilespmem:s12], [sflag:$0x2] =	stream.linear.gather [hbm4b:s30+s3], $0xC800, $0x38;
	[tilespmem:$0x1B808] =	vst v63  }
0xdd: {  	s30 =	sld [smem:$0x7F7];
	_ =	sdelay $0x2  }
0xde: {  	[tilespmem:s21], [sflag:$0x2] =	stream.linear.gather [hbm4b:s30+s3], $0x50, $0x38;
	[tilespmem:$0x1B808] =	vst v63  }
0xdf: {  	s30 =	rddreg [dreg:$0x1e]  }
0xe0: {  	[tilespmem:s22], [sflag:$0x2] =	stream.linear.gather [hbm4b:s30+s3], $0x50, $0x38;
	[tilespmem:$0x1B808] =	vst v63  }
0xe1: {  	s30 =	rddreg [dreg:$0x1f]  }
0xe2: {  	[tilespmem:s23], [sflag:$0x2] =	stream.linear.gather [hbm4b:s30+s3], $0x50, $0x38;
	[tilespmem:$0x1B808] =	vst v63  }
0xe3: {  	s30 =	sld [smem:$0x7F6];
	_ =	sdelay $0x2  }
0xe4: {  	[tilespmem:s24], [sflag:$0x2] =	stream.linear.gather [hbm4b:s30+s3], $0x50, $0x38;
	[tilespmem:$0x1B808] =	vst v63  }
0xe5: {  	s30 =	sld [smem:$0x7F8];
	_ =	sdelay $0x2  }
0xe6: {  	[tilespmem:s25], [sflag:$0x2] =	stream.linear.gather [hbm4b:s30+s3], $0x50, $0x38;
	[tilespmem:$0x1B808] =	vst v63  }
0xe7: {  	_ =	swait.ge [sflag:s26], $0xC800  }
0xe8: {  	[sflag:s26] =	ssyncset.done $0x0  }
0xe9: {  	[sflag:s26] =	ssyncadd.s32 $0xFFFF3800  }
0xea: {  	_ =	swait.ge [sflag:s26], $0x50  }
0xeb: {  	[sflag:s26] =	ssyncset.done $0x0  }
0xec: {  	[sflag:s26] =	ssyncadd.s32 $0xFFFFFFB0  }
0xed: {  	_ =	swait.ge [sflag:s26], $0x50  }
0xee: {  	[sflag:s26] =	ssyncset.done $0x0  }
0xef: {  	[sflag:s26] =	ssyncadd.s32 $0xFFFFFFB0  }
0xf0: {  	_ =	swait.ge [sflag:s26], $0x50  }
0xf1: {  	[sflag:s26] =	ssyncset.done $0x0  }
0xf2: {  	[sflag:s26] =	ssyncadd.s32 $0xFFFFFFB0  }
0xf3: {  	_ =	swait.ge [sflag:s26], $0x50  }
0xf4: {  	[sflag:s26] =	ssyncset.done $0x0  }
0xf5: {  	[sflag:s26] =	ssyncadd.s32 $0xFFFFFFB0  }
0xf6: {  	_ =	swait.ge [sflag:s26], $0x50  }
0xf7: {  	[sflag:s26] =	ssyncset.done $0x0  }
0xf8: {  	[sflag:s26] =	ssyncadd.s32 $0xFFFFFFB0  }
0xf9: {  	[spmem:s1] =	stream.indirect.scatter.add.f32 [tilespmem:s3], [sflag:$0x3], $0x80, s17, s28, $0xb8;
	[tilespmem:$0x1B808] =	vst v63  }
0xfa: {  	_ = 	snop  }
0xfb: {  	[spmem:s2] =	stream.indirect.scatter.add.f32 [tilespmem:s29], [sflag:$0x3], $0x1, s17, s28, $0xb8;
	[tilespmem:$0x1B808] =	vst v63  }
0xfc: {  	_ = 	snop  }
0xfd: {  	[spmem:s1] =	stream.indirect.scatter.add.f32 [tilespmem:s5], [sflag:$0x3], $0x80, s13, s28, $0xb8;
	[tilespmem:$0x1B808] =	vst v63  }
0xfe: {  	_ = 	snop  }
0xff: {  	[spmem:s2] =	stream.indirect.scatter.add.f32 [tilespmem:s29], [sflag:$0x3], $0x1, s13, s28, $0xb8;
	[tilespmem:$0x1B808] =	vst v63  }
0x100: {  	_ = 	snop  }
0x101: {  	[spmem:s1] =	stream.indirect.scatter.add.f32 [tilespmem:s8], [sflag:$0x3], $0x80, s14, s28, $0xb8;
	[tilespmem:$0x1B808] =	vst v63  }
0x102: {  	_ = 	snop  }
0x103: {  	[spmem:s2] =	stream.indirect.scatter.add.f32 [tilespmem:s29], [sflag:$0x3], $0x1, s14, s28, $0xb8;
	[tilespmem:$0x1B808] =	vst v63  }
0x104: {  	_ = 	snop  }
0x105: {  	[spmem:s1] =	stream.indirect.scatter.add.f32 [tilespmem:s9], [sflag:$0x3], $0x80, s15, s28, $0xb8;
	[tilespmem:$0x1B808] =	vst v63  }
0x106: {  	_ = 	snop  }
0x107: {  	[spmem:s2] =	stream.indirect.scatter.add.f32 [tilespmem:s29], [sflag:$0x3], $0x1, s15, s28, $0xb8;
	[tilespmem:$0x1B808] =	vst v63  }
0x108: {  	_ = 	snop  }
0x109: {  	[spmem:s1] =	stream.indirect.scatter.add.f32 [tilespmem:s10], [sflag:$0x3], $0x80, s16, s28, $0xb8;
	[tilespmem:$0x1B808] =	vst v63  }
0x10a: {  	_ = 	snop  }
0x10b: {  	[spmem:s2] =	stream.indirect.scatter.add.f32 [tilespmem:s29], [sflag:$0x3], $0x1, s16, s28, $0xb8;
	[tilespmem:$0x1B808] =	vst v63  }
0x10c: {  	_ =	swait.ge [sflag:s6], $0x2800  }
0x10d: {  	[sflag:s6] =	ssyncset.done $0x0  }
0x10e: {  	[sflag:s6] =	ssyncadd.s32 $0xFFFFD800  }
0x10f: {  	_ =	swait.ge [sflag:s6], $0x50  }
0x110: {  	[sflag:s6] =	ssyncset.done $0x0  }
0x111: {  	[sflag:s6] =	ssyncadd.s32 $0xFFFFFFB0  }
0x112: {  	_ =	swait.ge [sflag:s6], $0x2800  }
0x113: {  	[sflag:s6] =	ssyncset.done $0x0  }
0x114: {  	[sflag:s6] =	ssyncadd.s32 $0xFFFFD800  }
0x115: {  	_ =	swait.ge [sflag:s6], $0x50  }
0x116: {  	[sflag:s6] =	ssyncset.done $0x0  }
0x117: {  	[sflag:s6] =	ssyncadd.s32 $0xFFFFFFB0  }
0x118: {  	_ =	swait.ge [sflag:s6], $0x2800  }
0x119: {  	[sflag:s6] =	ssyncset.done $0x0  }
0x11a: {  	[sflag:s6] =	ssyncadd.s32 $0xFFFFD800  }
0x11b: {  	_ =	swait.ge [sflag:s6], $0x50  }
0x11c: {  	[sflag:s6] =	ssyncset.done $0x0  }
0x11d: {  	[sflag:s6] =	ssyncadd.s32 $0xFFFFFFB0  }
0x11e: {  	_ =	swait.ge [sflag:s6], $0x2800  }
0x11f: {  	[sflag:s6] =	ssyncset.done $0x0  }
0x120: {  	[sflag:s6] =	ssyncadd.s32 $0xFFFFD800  }
0x121: {  	_ =	swait.ge [sflag:s6], $0x50  }
0x122: {  	[sflag:s6] =	ssyncset.done $0x0  }
0x123: {  	[sflag:s6] =	ssyncadd.s32 $0xFFFFFFB0  }
0x124: {  	_ =	swait.ge [sflag:s6], $0x2800  }
0x125: {  	[sflag:s6] =	ssyncset.done $0x0  }
0x126: {  	[sflag:s6] =	ssyncadd.s32 $0xFFFFD800  }
0x127: {  	_ =	swait.ge [sflag:s6], $0x50  }
0x128: {  	[sflag:s6] =	ssyncset.done $0x0  }
0x129: {  	s8 =	simm.s32 @!p1 $0x0;
	s4 =	rddreg [dreg:$0x12];
	[sflag:s6] =	ssyncadd.s32 $0xFFFFFFB0  }
0x12a: {  	[tilespmem:s8], [sflag:$0x1] =	stream.linear.gather @!p1 [hbm4b:s4+s8], $0xC800, $0x38;
	[tilespmem:$0x1B808] =	vst v63  }
0x12b: {  	s4 =	sld [smem:$0x7FC];
	_ =	sdelay $0x1  }
0x12c: {  	s9 =	simm.s32 @!p1 $0x19000  }
0x12d: {  	[tilespmem:s9], [sflag:$0x1] =	stream.linear.gather @!p1 [hbm4b:s4+s8], $0x50, $0x38;
	[tilespmem:$0x1B808] =	vst v63  }
0x12e: {  	s4 =	sld [smem:$0x7F9];
	_ =	sdelay $0x1  }
0x12f: {  	s5 =	simm.s32 @!p1 $0x19080  }
0x130: {  	[tilespmem:s5], [sflag:$0x1] =	stream.linear.gather @!p1 [hbm4b:s4+s8], $0x50, $0x38;
	[tilespmem:$0x1B808] =	vst v63  }
0x131: {  	s4 =	sld [smem:$0x7FA];
	_ =	sdelay $0x1  }
0x132: {  	s30 =	simm.s32 @!p1 $0x19100  }
0x133: {  	[tilespmem:s30], [sflag:$0x1] =	stream.linear.gather @!p1 [hbm4b:s4+s8], $0x50, $0x38;
	[tilespmem:$0x1B808] =	vst v63  }
0x134: {  	s4 =	sld [smem:$0x7FB];
	_ =	sdelay $0x1  }
0x135: {  	s10 =	simm.s32 @!p1 $0x19180;
	s17 =	sld [smem:$0x7FD]  }
0x136: {  	[tilespmem:s10], [sflag:$0x1] =	stream.linear.gather @!p1 [hbm4b:s4+s8], $0x50, $0x38;
	[tilespmem:$0x1B808] =	vst v63  }
0x137: {  	s4 =	simm.s32 @!p1 $0x19200  }
0x138: {  	[tilespmem:s4], [sflag:$0x1] =	stream.linear.gather @!p1 [hbm4b:s17+s8], $0x50, $0x38;
	[tilespmem:$0x1B808] =	vst v63  }
0x139: {  	_ =	swait.ge [sflag:s7], $0xC800  }
0x13a: {  	[sflag:s7] =	ssyncset.done $0x0  }
0x13b: {  	[sflag:s7] =	ssyncadd.s32 $0xFFFF3800  }
0x13c: {  	_ =	swait.ge [sflag:s7], $0x50  }
0x13d: {  	[sflag:s7] =	ssyncset.done $0x0  }
0x13e: {  	[sflag:s7] =	ssyncadd.s32 $0xFFFFFFB0  }
0x13f: {  	_ =	swait.ge [sflag:s7], $0x50  }
0x140: {  	[sflag:s7] =	ssyncset.done $0x0  }
0x141: {  	[sflag:s7] =	ssyncadd.s32 $0xFFFFFFB0  }
0x142: {  	_ =	swait.ge [sflag:s7], $0x50  }
0x143: {  	[sflag:s7] =	ssyncset.done $0x0  }
0x144: {  	[sflag:s7] =	ssyncadd.s32 $0xFFFFFFB0  }
0x145: {  	_ =	swait.ge [sflag:s7], $0x50  }
0x146: {  	[sflag:s7] =	ssyncset.done $0x0  }
0x147: {  	[sflag:s7] =	ssyncadd.s32 $0xFFFFFFB0  }
0x148: {  	_ =	swait.ge [sflag:s7], $0x50  }
0x149: {  	[sflag:s7] =	ssyncset.done $0x0  }
0x14a: {  	[sflag:s7] =	ssyncadd.s32 $0xFFFFFFB0  }
0x14b: {  	[spmem:s1] =	stream.indirect.scatter.add.f32 [tilespmem:s12], [sflag:$0x4], $0x80, s21, s28, $0xb8;
	[tilespmem:$0x1B808] =	vst v63  }
0x14c: {  	_ = 	snop  }
0x14d: {  	[spmem:s2] =	stream.indirect.scatter.add.f32 [tilespmem:s29], [sflag:$0x4], $0x1, s21, s28, $0xb8;
	[tilespmem:$0x1B808] =	vst v63  }
0x14e: {  	_ = 	snop  }
0x14f: {  	[spmem:s1] =	stream.indirect.scatter.add.f32 [tilespmem:s18], [sflag:$0x4], $0x80, s22, s28, $0xb8;
	[tilespmem:$0x1B808] =	vst v63  }
0x150: {  	_ = 	snop  }
0x151: {  	[spmem:s2] =	stream.indirect.scatter.add.f32 [tilespmem:s29], [sflag:$0x4], $0x1, s22, s28, $0xb8;
	[tilespmem:$0x1B808] =	vst v63  }
0x152: {  	_ = 	snop  }
0x153: {  	[spmem:s1] =	stream.indirect.scatter.add.f32 [tilespmem:s19], [sflag:$0x4], $0x80, s23, s28, $0xb8;
	[tilespmem:$0x1B808] =	vst v63  }
0x154: {  	_ = 	snop  }
0x155: {  	[spmem:s2] =	stream.indirect.scatter.add.f32 [tilespmem:s29], [sflag:$0x4], $0x1, s23, s28, $0xb8;
	[tilespmem:$0x1B808] =	vst v63  }
0x156: {  	_ = 	snop  }
0x157: {  	[spmem:s1] =	stream.indirect.scatter.add.f32 [tilespmem:s11], [sflag:$0x4], $0x80, s24, s28, $0xb8;
	[tilespmem:$0x1B808] =	vst v63  }
0x158: {  	_ = 	snop  }
0x159: {  	[spmem:s2] =	stream.indirect.scatter.add.f32 [tilespmem:s29], [sflag:$0x4], $0x1, s24, s28, $0xb8;
	[tilespmem:$0x1B808] =	vst v63  }
0x15a: {  	_ = 	snop  }
0x15b: {  	[spmem:s1] =	stream.indirect.scatter.add.f32 [tilespmem:s20], [sflag:$0x4], $0x80, s25, s28, $0xb8;
	[tilespmem:$0x1B808] =	vst v63  }
0x15c: {  	s17 =	simm.s32 @!p1 $0x1  }
0x15d: {  	[spmem:s2] =	stream.indirect.scatter.add.f32 [tilespmem:s29], [sflag:$0x4], $0x1, s25, s28, $0xb8;
	[tilespmem:$0x1B808] =	vst v63  }
0x15e: {  	_ =	swait.ge @!p1 [sflag:s17], $0xC800  }
0x15f: {  	[sflag:s17] =	ssyncset.done @!p1 $0x0  }
0x160: {  	[sflag:s17] =	ssyncadd.s32 @!p1 $0xFFFF3800  }
0x161: {  	_ =	swait.ge @!p1 [sflag:s17], $0x50  }
0x162: {  	[sflag:s17] =	ssyncset.done @!p1 $0x0  }
0x163: {  	[sflag:s17] =	ssyncadd.s32 @!p1 $0xFFFFFFB0  }
0x164: {  	_ =	swait.ge @!p1 [sflag:s17], $0x50  }
0x165: {  	[sflag:s17] =	ssyncset.done @!p1 $0x0  }
0x166: {  	[sflag:s17] =	ssyncadd.s32 @!p1 $0xFFFFFFB0  }
0x167: {  	_ =	swait.ge @!p1 [sflag:s17], $0x50  }
0x168: {  	[sflag:s17] =	ssyncset.done @!p1 $0x0  }
0x169: {  	[sflag:s17] =	ssyncadd.s32 @!p1 $0xFFFFFFB0  }
0x16a: {  	_ =	swait.ge @!p1 [sflag:s17], $0x50  }
0x16b: {  	[sflag:s17] =	ssyncset.done @!p1 $0x0  }
0x16c: {  	[sflag:s17] =	ssyncadd.s32 @!p1 $0xFFFFFFB0  }
0x16d: {  	_ =	swait.ge @!p1 [sflag:s17], $0x50  }
0x16e: {  	[sflag:s17] =	ssyncset.done @!p1 $0x0  }
0x16f: {  	[sflag:s17] =	ssyncadd.s32 @!p1 $0xFFFFFFB0;
	s17 =	simm.s32 @!p1 $0x50  }
0x170: {  	[spmem:s1] =	stream.indirect.scatter.add.f32 @!p1 [tilespmem:s8], [sflag:$0x3], $0x80, s9, s17, $0xb8;
	[tilespmem:$0x1B808] =	vst v63  }
0x171: {  	s8 =	simm.s32 @!p1 $0x19500  }
0x172: {  	[spmem:s2] =	stream.indirect.scatter.add.f32 @!p1 [tilespmem:s8], [sflag:$0x3], $0x1, s9, s17, $0xb8;
	[tilespmem:$0x1B808] =	vst v63  }
0x173: {  	s9 =	simm.s32 @!p1 $0x2800  }
0x174: {  	[spmem:s1] =	stream.indirect.scatter.add.f32 @!p1 [tilespmem:s9], [sflag:$0x3], $0x80, s5, s17, $0xb8;
	[tilespmem:$0x1B808] =	vst v63  }
0x175: {  	_ = 	snop  }
0x176: {  	[spmem:s2] =	stream.indirect.scatter.add.f32 @!p1 [tilespmem:s8], [sflag:$0x3], $0x1, s5, s17, $0xb8;
	[tilespmem:$0x1B808] =	vst v63  }
0x177: {  	s5 =	simm.s32 @!p1 $0x5000  }
0x178: {  	[spmem:s1] =	stream.indirect.scatter.add.f32 @!p1 [tilespmem:s5], [sflag:$0x3], $0x80, s30, s17, $0xb8;
	[tilespmem:$0x1B808] =	vst v63  }
0x179: {  	_ = 	snop  }
0x17a: {  	[spmem:s2] =	stream.indirect.scatter.add.f32 @!p1 [tilespmem:s8], [sflag:$0x3], $0x1, s30, s17, $0xb8;
	[tilespmem:$0x1B808] =	vst v63  }
0x17b: {  	s5 =	simm.s32 @!p1 $0x7800  }
0x17c: {  	[spmem:s1] =	stream.indirect.scatter.add.f32 @!p1 [tilespmem:s5], [sflag:$0x3], $0x80, s10, s17, $0xb8;
	[tilespmem:$0x1B808] =	vst v63  }
0x17d: {  	_ = 	snop  }
0x17e: {  	[spmem:s2] =	stream.indirect.scatter.add.f32 @!p1 [tilespmem:s8], [sflag:$0x3], $0x1, s10, s17, $0xb8;
	[tilespmem:$0x1B808] =	vst v63  }
0x17f: {  	s5 =	simm.s32 @!p1 $0xA000  }
0x180: {  	[spmem:s1] =	stream.indirect.scatter.add.f32 @!p1 [tilespmem:s5], [sflag:$0x3], $0x80, s4, s17, $0xb8;
	[tilespmem:$0x1B808] =	vst v63  }
0x181: {  	_ = 	snop  }
0x182: {  	[spmem:s2] =	stream.indirect.scatter.add.f32 @!p1 [tilespmem:s8], [sflag:$0x3], $0x1, s4, s17, $0xb8;
	[tilespmem:$0x1B808] =	vst v63  }
0x183: {  	_ =	swait.ge [sflag:s31], $0x2800  }
0x184: {  	[sflag:s31] =	ssyncset.done $0x0  }
0x185: {  	[sflag:s31] =	ssyncadd.s32 $0xFFFFD800  }
0x186: {  	_ =	swait.ge [sflag:s31], $0x50  }
0x187: {  	[sflag:s31] =	ssyncset.done $0x0  }
0x188: {  	[sflag:s31] =	ssyncadd.s32 $0xFFFFFFB0  }
0x189: {  	_ =	swait.ge [sflag:s31], $0x2800  }
0x18a: {  	[sflag:s31] =	ssyncset.done $0x0  }
0x18b: {  	[sflag:s31] =	ssyncadd.s32 $0xFFFFD800  }
0x18c: {  	_ =	swait.ge [sflag:s31], $0x50  }
0x18d: {  	[sflag:s31] =	ssyncset.done $0x0  }
0x18e: {  	[sflag:s31] =	ssyncadd.s32 $0xFFFFFFB0  }
0x18f: {  	_ =	swait.ge [sflag:s31], $0x2800  }
0x190: {  	[sflag:s31] =	ssyncset.done $0x0  }
0x191: {  	[sflag:s31] =	ssyncadd.s32 $0xFFFFD800  }
0x192: {  	_ =	swait.ge [sflag:s31], $0x50  }
0x193: {  	[sflag:s31] =	ssyncset.done $0x0  }
0x194: {  	[sflag:s31] =	ssyncadd.s32 $0xFFFFFFB0  }
0x195: {  	_ =	swait.ge [sflag:s31], $0x2800  }
0x196: {  	[sflag:s31] =	ssyncset.done $0x0  }
0x197: {  	[sflag:s31] =	ssyncadd.s32 $0xFFFFD800  }
0x198: {  	_ =	swait.ge [sflag:s31], $0x50  }
0x199: {  	[sflag:s31] =	ssyncset.done $0x0  }
0x19a: {  	[sflag:s31] =	ssyncadd.s32 $0xFFFFFFB0  }
0x19b: {  	_ =	swait.ge [sflag:s31], $0x2800  }
0x19c: {  	[sflag:s31] =	ssyncset.done $0x0  }
0x19d: {  	[sflag:s31] =	ssyncadd.s32 $0xFFFFD800  }
0x19e: {  	_ =	swait.ge [sflag:s31], $0x50  }
0x19f: {  	[sflag:s31] =	ssyncset.done $0x0  }
0x1a0: {  	s4 =	simm.s32 @p2 $0x3;
	[sflag:s31] =	ssyncadd.s32 $0xFFFFFFB0  }
0x1a1: {  	_ =	swait.ge @p2 [sflag:s4], $0x2800  }
0x1a2: {  	[sflag:s4] =	ssyncset.done @p2 $0x0  }
0x1a3: {  	[sflag:s4] =	ssyncadd.s32 @p2 $0xFFFFD800  }
0x1a4: {  	_ =	swait.ge @p2 [sflag:s4], $0x50  }
0x1a5: {  	[sflag:s4] =	ssyncset.done @p2 $0x0  }
0x1a6: {  	[sflag:s4] =	ssyncadd.s32 @p2 $0xFFFFFFB0  }
0x1a7: {  	_ =	swait.ge @p2 [sflag:s4], $0x2800  }
0x1a8: {  	[sflag:s4] =	ssyncset.done @p2 $0x0  }
0x1a9: {  	[sflag:s4] =	ssyncadd.s32 @p2 $0xFFFFD800  }
0x1aa: {  	_ =	swait.ge @p2 [sflag:s4], $0x50  }
0x1ab: {  	[sflag:s4] =	ssyncset.done @p2 $0x0  }
0x1ac: {  	[sflag:s4] =	ssyncadd.s32 @p2 $0xFFFFFFB0  }
0x1ad: {  	_ =	swait.ge @p2 [sflag:s4], $0x2800  }
0x1ae: {  	[sflag:s4] =	ssyncset.done @p2 $0x0  }
0x1af: {  	[sflag:s4] =	ssyncadd.s32 @p2 $0xFFFFD800  }
0x1b0: {  	_ =	swait.ge @p2 [sflag:s4], $0x50  }
0x1b1: {  	[sflag:s4] =	ssyncset.done @p2 $0x0  }
0x1b2: {  	[sflag:s4] =	ssyncadd.s32 @p2 $0xFFFFFFB0  }
0x1b3: {  	_ =	swait.ge @p2 [sflag:s4], $0x2800  }
0x1b4: {  	[sflag:s4] =	ssyncset.done @p2 $0x0  }
0x1b5: {  	[sflag:s4] =	ssyncadd.s32 @p2 $0xFFFFD800  }
0x1b6: {  	_ =	swait.ge @p2 [sflag:s4], $0x50  }
0x1b7: {  	[sflag:s4] =	ssyncset.done @p2 $0x0  }
0x1b8: {  	[sflag:s4] =	ssyncadd.s32 @p2 $0xFFFFFFB0  }
0x1b9: {  	_ =	swait.ge @p2 [sflag:s4], $0x2800  }
0x1ba: {  	[sflag:s4] =	ssyncset.done @p2 $0x0  }
0x1bb: {  	[sflag:s4] =	ssyncadd.s32 @p2 $0xFFFFD800  }
0x1bc: {  	_ =	swait.ge @p2 [sflag:s4], $0x50  }
0x1bd: {  	[sflag:s4] =	ssyncset.done @p2 $0x0  }
0x1be: {  	[sflag:s4] =	ssyncadd.s32 @p2 $0xFFFFFFB0  }
0x1bf: {  	[bflag:$0x0] =	sbarrier.arrive @p2 $0xFFFF  }
0x1c0: {  	s5 =	simm.s32 @!p3 $0x1C05;
	s4 =	sshrl.u32 @!p3 s1, $0x3;
	s8 =	rddreg [dreg:$0x19]  }
0x1c1: {  	[hbm:s8], [sflag:s5] =	dma.local @!p3 [spmem:s4], $0x400  }
0x1c2: {  	s4 =	simm.s32 @!p3 $0x5  }
0x1c3: {  	_ =	swait.ge @!p3 [sflag:s4], $0x400  }
0x1c4: {  	[sflag:s4] =	ssyncset.done @!p3 $0x0  }
0x1c5: {  	s8 =	sshrl.u32 @!p3 s2, $0x3;
	s9 =	rddreg [dreg:$0x16];
	[sflag:s4] =	ssyncadd.s32 @!p3 $0xFFFFFC00  }
0x1c6: {  	[hbm:s9], [sflag:s5] =	dma.local @!p3 [spmem:s8], $0x10  }
0x1c7: {  	_ =	swait.ge @!p3 [sflag:s4], $0x10  }
0x1c8: {  	s0 =	sadd.s32 $0x1, s0;
	s30 =	rddreg [dreg:$0x1a]  }
0x1c9: {  	p4 =	sne.s32 s0, s30  }
.Ltmp1:
0x1ca: {  	_ = 	snop;
	(pc) =	sbr.rel @!p4 .LBB2_6-.Ltmp1, $3  }
0x1cb: {  	[sflag:s4] =	ssyncset.done @!p3 $0x0  }
0x1cc: {  	[sflag:s4] =	ssyncadd.s32 @!p3 $0xFFFFFFF0  }
0x1cd: {  	[bflag:$0x0] =	sbarrier.arrive @!p2 $0xFFFF;
	_ =	sdelay $0x1  }
.LBB2_1:
.Ltmp2:
0x1ce: {  	[tilespmem:$0x19500] =	vst v0;
	(pc) =	sbr.rel @p0 .LBB2_5-.Ltmp2, $4  }
0x1cf: {  	[tilespmem:$0x19510] =	vst v0  }
0x1d0: {  	[tilespmem:$0x19520] =	vst v0  }
0x1d1: {  	[tilespmem:$0x19530] =	vst v0  }
0x1d2: {  	[tilespmem:$0x19540] =	vst v0  }
0x1d3: {  	[tilespmem:$0x1B580] =	vst v1  }
0x1d4: {  	[tilespmem:$0x1B590] =	vst v1  }
0x1d5: {  	[tilespmem:$0x1B5A0] =	vst v1  }
0x1d6: {  	[tilespmem:$0x1B5B0] =	vst v1;
	s4 =	simm.s32 $0x0;
	s10 =	simm.s32 $0x200  }
.LBB2_3:
0x1d7: {  	p4 =	sne.s32 s10, $0x7E00;
	[tilespmem:s4+$0x195F0] =	vst v1  }
0x1d8: {  	[tilespmem:s4+$0x19580] =	vst v1  }
0x1d9: {  	[tilespmem:s4+$0x19590] =	vst v1  }
.Ltmp3:
0x1da: {  	[tilespmem:s4+$0x195A0] =	vst v1;
	(pc) =	sbr.rel @p4 .LBB2_3-.Ltmp3, $4  }
0x1db: {  	[tilespmem:s4+$0x195B0] =	vst v1  }
0x1dc: {  	[tilespmem:s4+$0x195C0] =	vst v1  }
0x1dd: {  	[tilespmem:s4+$0x195D0] =	vst v1  }
0x1de: {  	[tilespmem:s4+$0x195E0] =	vst v1;
	s4 =	sshra.s32 s10, $0x2;
	s10 =	sadd.s32 $0x200, s10  }
0x1df: {  	[tilespmem:s4+$0x195F0] =	vst v1  }
0x1e0: {  	[tilespmem:s4+$0x19580] =	vst v1  }
0x1e1: {  	[tilespmem:s4+$0x19590] =	vst v1  }
0x1e2: {  	[tilespmem:s4+$0x195A0] =	vst v1  }
0x1e3: {  	[tilespmem:s4+$0x195B0] =	vst v1  }
0x1e4: {  	[tilespmem:s4+$0x195C0] =	vst v1  }
0x1e5: {  	[tilespmem:s4+$0x195D0] =	vst v1  }
0x1e6: {  	[tilespmem:s4+$0x195E0] =	vst v1;
	s17 =	simm.s32 $0x19580;
	s5 =	simm.s32 $0x5  }
0x1e7: {  	[spmem:s1] =	stream.linear.scatter [tilespmem:s17], [sflag:$0x5], $0x2000, $0x38;
	[tilespmem:$0x1B808] =	vst v63  }
0x1e8: {  	_ =	swait.ge [sflag:s5], $0x2000  }
0x1e9: {  	[sflag:s5] =	ssyncset.done $0x0  }
.Ltmp4:
0x1ea: {  	s30 =	simm.s32 $0x1B580;
	[sflag:s5] =	ssyncadd.s32 $0xFFFFE000;
	(pc) =	sbr.rel .LBB2_5-.Ltmp4, $4  }
0x1eb: {  	[spmem:s2] =	stream.linear.scatter [tilespmem:s30], [sflag:$0x5], $0x80, $0x38;
	[tilespmem:$0x1B808] =	vst v63  }
0x1ec: {  	_ =	swait.ge [sflag:s5], $0x80  }
0x1ed: {  	[sflag:s5] =	ssyncset.done $0x0  }
0x1ee: {  	[sflag:s5] =	ssyncadd.s32 $0xFFFFFF80  }
.LBB2_6:
0x1ef: {  	_ =	sfence.sel $0x180000  }
0x1f0: {  	[bflag:$0x0] =	sbarrier.arrive $0xFFFF  }
0x1f1: {  	_ =	strace $0x90000047  }
0x1f2: {  	[bflag:$0x2] =	sbarrier.arrive $0xFFFF  }
0x1f3: {  	s0 =	rddreg [dreg:$0x6]  }
0x1f4: {  	s0 =	sadd.s32 @!p0 $0x100000, s0  }
0x1f5: {  	[sflag:s0] =	ssyncadd.tile.s32 @!p0 $0x1;
	_ =	shalt  }
.Lfunc_end2:
_tile_overlayer_lowered:
.L_overlay_start_2:
0x1f6: {  	(tag) =	ssettag $0x2  }
0x1f7: {  	s0 =	rddreg [dreg:$0x0];
	s2 =	stileid.u32  }
0x1f8: {  	s1 =	rddreg [dreg:$0x1];
	p0 =	sne.s32 s2, $0x0  }
0x1f9: {  	s3 =	rddreg [dreg:$0x2];
	[bflag:$0x3] =	sbarrier.arrive $0xFFFF;
	s2 =	simm.s32 @!p0 $0x1C05  }
0x1fa: {  	[timem:s3], [sflag:s2] =	dma.local @!p0 [hbm:s0], s1  }
0x1fb: {  	s0 =	simm.s32 @!p0 $0x5  }
0x1fc: {  	_ =	swait.ge @!p0 [sflag:s0], s1  }
0x1fd: {  	s1 =	ssub.s32 @!p0 $0x0, s1;
	[sflag:s0] =	ssyncset.done @!p0 $0x0  }
0x1fe: {  	[sflag:s0] =	ssyncadd.s32 @!p0 s1  }
0x1ff: {  	[bflag:$0x3] =	sbarrier.arrive $0xFFFF  }
0x200: {  	_ =	shalt  }

</sc_bundles>
